<compile_context>
chip_gen: v7x
topology: tpu7x:2x2x1
jax: 0.10.2.dev20260603
libtpu: 0.0.44.dev20260713+nightly
codegen_flags: <defaults>
</compile_context>

<pallas_src>
import functools

import jax
import jax.numpy as jnp
from jax import lax
from jax.experimental import pallas as pl
from jax.experimental.pallas import tpu as pltpu
from jax.experimental.pallas import tpu_sc as plsc

L = 16
NC, NS = 2, 16
NW = NC * NS


@functools.cache
def _build(P, C, S):
    NCR = 16
    NPQ = NW // NCR
    CCH = C // NCR
    PPW = P // NPQ
    GP = 32
    NGRP = PPW // GP
    CV = CCH // L
    mesh = plsc.VectorSubcoreMesh(core_axis_name="c", subcore_axis_name="s")

    @functools.partial(
        pl.kernel,
        mesh=mesh,
        out_type=jax.ShapeDtypeStruct((P, C), jnp.float32),
        scratch_types=[
            pltpu.VMEM((PPW,), jnp.int32),
            pltpu.VMEM((PPW,), jnp.int32),
            pltpu.VMEM_SHARED((S * NCR, CCH), jnp.float32),
            pltpu.VMEM_SHARED((S * NCR, CCH), jnp.float32),
            pltpu.VMEM((GP, CCH), jnp.float32),
            pltpu.VMEM((GP, CCH), jnp.float32),
            pltpu.VMEM((GP, CCH), jnp.float32),
            pltpu.VMEM((GP, CCH), jnp.float32),
            pltpu.VMEM((GP, CCH), jnp.float32),
            pltpu.VMEM((GP, CCH), jnp.float32),
            pltpu.VMEM((GP, CCH), jnp.float32),
            pltpu.VMEM((GP, CCH), jnp.float32),
            pltpu.SemaphoreType.DMA,
            pltpu.SemaphoreType.DMA,
            pltpu.SemaphoreType.DMA,
            pltpu.SemaphoreType.DMA,
            pltpu.SemaphoreType.DMA,
            pltpu.SemaphoreType.DMA,
            pltpu.SemaphoreType.DMA,
            pltpu.SemaphoreType.DMA,
        ],
        compiler_params=pltpu.CompilerParams(needs_layout_passes=False),
    )
    def _slotfa(x_hbm, slot_hbm, a_hbm, b_hbm, out_hbm,
                slot_v, idx_v, a_sh, b_sh,
                xb0, xb1, yb0, yb1, ab0, ab1, bb0, bb1,
                sx0, sx1, sy0, sy1, sa0, sa1, sb0, sb1):
        xb, yb, ab, bb = (xb0, xb1), (yb0, yb1), (ab0, ab1), (bb0, bb1)
        sx, sy, sa, sb = (sx0, sx1), (sy0, sy1), (sa0, sa1), (sb0, sb1)
        cidx = lax.axis_index("c")
        sidx = lax.axis_index("s")
        wid = sidx * NC + cidx
        cr = wid % NCR
        pq = wid // NCR
        c0 = cr * CCH
        p0 = pq * PPW

        @pl.when(sidx == 0)
        def _():
            pltpu.sync_copy(a_hbm, a_sh)
            pltpu.sync_copy(b_hbm, b_sh)

        pltpu.sync_copy(slot_hbm.at[pl.ds(p0, PPW)], slot_v)

        @plsc.parallel_loop(0, PPW // L, 1, unroll=8)
        def idx_body(i):
            o = i * L
            idx_v[pl.ds(o, L)] = slot_v[pl.ds(o, L)] * NCR + cr

        plsc.subcore_barrier()

        for par in range(2):
            pltpu.async_copy(
                x_hbm.at[pl.ds(p0 + par * GP, GP), pl.ds(c0, CCH)],
                xb[par], sx[par])
            pltpu.async_copy(
                a_sh.at[idx_v.at[pl.ds(par * GP, GP)]], ab[par], sa[par])
            pltpu.async_copy(
                b_sh.at[idx_v.at[pl.ds(par * GP, GP)]], bb[par], sb[par])

        def gp_body(gp, _):
            for par in range(2):
                g = gp * 2 + par
                pg = p0 + g * GP
                pltpu.make_async_copy(
                    x_hbm.at[pl.ds(pg, GP), pl.ds(c0, CCH)],
                    xb[par], sx[par]).wait()
                pltpu.make_async_copy(
                    a_sh.at[idx_v.at[pl.ds(g * GP, GP)]], ab[par],
                    sa[par]).wait()
                pltpu.make_async_copy(
                    b_sh.at[idx_v.at[pl.ds(g * GP, GP)]], bb[par],
                    sb[par]).wait()

                @pl.when(gp >= 1)
                def _():
                    pltpu.make_async_copy(
                        yb[par], out_hbm.at[pl.ds(pg, GP), pl.ds(c0, CCH)],
                        sy[par]).wait()

                @plsc.parallel_loop(0, GP, 1, unroll=4)
                def px_body(r):
                    for v in range(CV):
                        o = v * L
                        yb[par][r, pl.ds(o, L)] = (
                            ab[par][r, pl.ds(o, L)]
                            * xb[par][r, pl.ds(o, L)]
                            + bb[par][r, pl.ds(o, L)])

                pltpu.async_copy(
                    yb[par], out_hbm.at[pl.ds(pg, GP), pl.ds(c0, CCH)],
                    sy[par])

                @pl.when(g + 2 < NGRP)
                def _():
                    pltpu.async_copy(
                        x_hbm.at[pl.ds(pg + 2 * GP, GP), pl.ds(c0, CCH)],
                        xb[par], sx[par])
                    pltpu.async_copy(
                        a_sh.at[idx_v.at[pl.ds((g + 2) * GP, GP)]],
                        ab[par], sa[par])
                    pltpu.async_copy(
                        b_sh.at[idx_v.at[pl.ds((g + 2) * GP, GP)]],
                        bb[par], sb[par])

            return 0

        lax.fori_loop(0, NGRP // 2, gp_body, 0)
        pltpu.make_async_copy(
            yb0, out_hbm.at[pl.ds(p0 + (NGRP - 2) * GP, GP),
                            pl.ds(c0, CCH)], sy0).wait()
        pltpu.make_async_copy(
            yb1, out_hbm.at[pl.ds(p0 + (NGRP - 1) * GP, GP),
                            pl.ds(c0, CCH)], sy1).wait()

    return _slotfa


@jax.jit
def kernel(x, slot_assign, alphas, betas):
    b, c, h, w = x.shape
    s = alphas.shape[0]
    xt = jnp.transpose(x, (0, 2, 3, 1)).reshape(b * h * w, c)
    slot1 = slot_assign.reshape(b * h * w).astype(jnp.int32)
    ncr = 16
    a2 = alphas.reshape(s * ncr, c // ncr)
    b2 = betas.reshape(s * ncr, c // ncr)
    out2 = _build(b * h * w, c, s)(xt, slot1, a2, b2)
    out = jnp.transpose(out2.reshape(b, h, w, c), (0, 3, 1, 2))
    return out

# --- scband reference (transcript-rebuilt; emitter-appended) ---
"""Pipeline reference for scband-simple-fa-57501022159267 (READ-ONLY COPY).

The authoritative reference and input builder live on the scoring server;
editing this copy changes nothing except your own understanding.
"""

import jax, jax.numpy as jnp
import numpy as np

SIGMA1 = 0.1
SIGMA2 = 0.1
NUM_SLOTS = 256
NOISE_DIM = 2048


def setup_inputs(seed: int = 0) -> dict:
    key = jax.random.key(seed)
    k1, k2, k3, k4 = jax.random.split(key, 4)
    x = jax.random.normal(k1, (4, 2048, 64, 64), dtype=jnp.float32)
    slot_assign = jax.random.randint(k2, (4, 64, 64), 0, NUM_SLOTS, dtype=jnp.int64)
    # Materialized slot noises: original draws them fresh each forward
    # (alpha ~ N(1, sigma1), beta ~ N(0, sigma2)) then broadcasts from rank 0;
    # here we make them deterministic inputs with the same distribution.
    alphas = 1.0 + SIGMA1 * jax.random.normal(k3, (NUM_SLOTS, NOISE_DIM), dtype=jnp.float32)
    betas = SIGMA2 * jax.random.normal(k4, (NUM_SLOTS, NOISE_DIM), dtype=jnp.float32)
    return {"x": x, "slot_assign": slot_assign, "alphas": alphas, "betas": betas}


def reference(x, slot_assign, alphas, betas):
    # Equivalent of apply_slot_noises: for each (i, j, k) pixel,
    # x_aug[i, :, j, k] = alpha[slot] * x[i, :, j, k] + beta[slot]
    # Vectorized as a gather over the slot tables.
    a = jnp.take(alphas, slot_assign, axis=0)  # [B, H, W, C]
    b = jnp.take(betas, slot_assign, axis=0)   # [B, H, W, C]
    a = jnp.transpose(a, (0, 3, 1, 2))          # [B, C, H, W]
    b = jnp.transpose(b, (0, 3, 1, 2))
    return a * x + b

if __name__ == "__main__":
    import jax
    _d = setup_inputs()
    print(jax.jit(kernel)(*tuple(_d.values())))

</pallas_src>

<mosaic_0001>
#map = affine_map<(d0, d1) -> (0, 0)>
#map1 = affine_map<(d0, d1) -> (0)>
module attributes {stable_mosaic.version = 14 : i64} {
  func.func @_slotfa(%arg0: i32, %arg1: i32, %arg2: memref<16384x2048xf32, #tpu.memory_space<hbm>>, %arg3: memref<16384xi32, #tpu.memory_space<hbm>>, %arg4: memref<4096x128xf32, #tpu.memory_space<hbm>>, %arg5: memref<4096x128xf32, #tpu.memory_space<hbm>>, %arg6: memref<16384x2048xf32, #tpu.memory_space<hbm>>, %arg7: memref<8192xi32, #tpu.memory_space<vmem>>, %arg8: memref<8192xi32, #tpu.memory_space<vmem>>, %arg9: memref<4096x128xf32, #tpu.memory_space<vmem_shared>>, %arg10: memref<4096x128xf32, #tpu.memory_space<vmem_shared>>, %arg11: memref<32x128xf32, #tpu.memory_space<vmem>>, %arg12: memref<32x128xf32, #tpu.memory_space<vmem>>, %arg13: memref<32x128xf32, #tpu.memory_space<vmem>>, %arg14: memref<32x128xf32, #tpu.memory_space<vmem>>, %arg15: memref<32x128xf32, #tpu.memory_space<vmem>>, %arg16: memref<32x128xf32, #tpu.memory_space<vmem>>, %arg17: memref<32x128xf32, #tpu.memory_space<vmem>>, %arg18: memref<32x128xf32, #tpu.memory_space<vmem>>, %arg19: memref<!tpu.dma_semaphore, #tpu.memory_space<semaphore_mem>>, %arg20: memref<!tpu.dma_semaphore, #tpu.memory_space<semaphore_mem>>, %arg21: memref<!tpu.dma_semaphore, #tpu.memory_space<semaphore_mem>>, %arg22: memref<!tpu.dma_semaphore, #tpu.memory_space<semaphore_mem>>, %arg23: memref<!tpu.dma_semaphore, #tpu.memory_space<semaphore_mem>>, %arg24: memref<!tpu.dma_semaphore, #tpu.memory_space<semaphore_mem>>, %arg25: memref<!tpu.dma_semaphore, #tpu.memory_space<semaphore_mem>>, %arg26: memref<!tpu.dma_semaphore, #tpu.memory_space<semaphore_mem>>) attributes {dimension_semantics = [#tpu.dimension_semantics<core_parallel>, #tpu.dimension_semantics<subcore_parallel>], iteration_bounds = array<i64: 2, 16>, scalar_prefetch = 0 : i64, scratch_operands = 20 : i64, tpu.core_type = #tpu.core_type<sc_vector_subcore>, window_params = [{transform_indices = #map}, {transform_indices = #map1}, {transform_indices = #map}, {transform_indices = #map}, {transform_indices = #map}]} {
    %mul3A = arith.constant 2 : i32
    %mul3A_0 = arith.muli %arg1, %mul3A : i32
    %add3A = arith.addi %mul3A_0, %arg0 : i32
    %jit3A = arith.constant 16 : i32
    %eq3A = arith.constant 0 : i32
    %eq3A_1 = arith.cmpi eq, %jit3A, %eq3A : i32
    %jit3A_2 = arith.constant 1 : i32
    %select_n3A = arith.select %eq3A_1, %jit3A_2, %jit3A : i32
    %rem3A = arith.remsi %add3A, %select_n3A : i32
    %ne3A = arith.constant 0 : i32
    %ne3A_3 = arith.cmpi ne, %rem3A, %ne3A : i32
    %lt3A = arith.constant 0 : i32
    %lt3A_4 = arith.cmpi slt, %rem3A, %lt3A : i32
    %lt3A_5 = arith.constant 0 : i32
    %lt3A_6 = arith.cmpi slt, %select_n3A, %lt3A_5 : i32
    %ne3A_7 = arith.xori %lt3A_4, %lt3A_6 : i1
    %and3A = arith.andi %ne3A_7, %ne3A_3 : i1
    %add3A_8 = arith.addi %rem3A, %select_n3A : i32
    %select_n3A_9 = arith.select %and3A, %add3A_8, %rem3A : i32
    %jit3A_10 = arith.constant 16 : i32
    %div3A = arith.divsi %add3A, %jit3A_10 : i32
    %sign3A = arith.constant 0 : i32
    %sign3A_11 = arith.cmpi sgt, %add3A, %sign3A : i32
    %sign3A_12 = arith.extui %sign3A_11 : i1 to i32
    %sign3A_13 = arith.constant 0 : i32
    %sign3A_14 = arith.cmpi slt, %add3A, %sign3A_13 : i32
    %sign3A_15 = arith.extui %sign3A_14 : i1 to i32
    %sign3A_16 = arith.subi %sign3A_12, %sign3A_15 : i32
    %sign3A_17 = arith.constant 0 : i32
    %sign3A_18 = arith.cmpi sgt, %jit3A_10, %sign3A_17 : i32
    %sign3A_19 = arith.extui %sign3A_18 : i1 to i32
    %sign3A_20 = arith.constant 0 : i32
    %sign3A_21 = arith.cmpi slt, %jit3A_10, %sign3A_20 : i32
    %sign3A_22 = arith.extui %sign3A_21 : i1 to i32
    %sign3A_23 = arith.subi %sign3A_19, %sign3A_22 : i32
    %ne3A_24 = arith.cmpi ne, %sign3A_16, %sign3A_23 : i32
    %rem3A_25 = arith.remsi %add3A, %jit3A_10 : i32
    %ne3A_26 = arith.constant 0 : i32
    %ne3A_27 = arith.cmpi ne, %rem3A_25, %ne3A_26 : i32
    %and3A_28 = arith.andi %ne3A_24, %ne3A_27 : i1
    %sub3A = arith.constant 1 : i32
    %sub3A_29 = arith.subi %div3A, %sub3A : i32
    %select_n3A_30 = arith.select %and3A_28, %sub3A_29, %div3A : i32
    %mul3A_31 = arith.constant 128 : i32
    %mul3A_32 = arith.muli %select_n3A_9, %mul3A_31 : i32
    %mul3A_33 = arith.constant 8192 : i32
    %mul3A_34 = arith.muli %select_n3A_30, %mul3A_33 : i32
    %eq3A_35 = arith.constant 0 : i32
    %eq3A_36 = arith.cmpi eq, %arg1, %eq3A_35 : i32
    %convert_element_type3A = arith.extui %eq3A_36 : i1 to i32
    %cond3A = arith.constant 0 : i32
    %cond3A_37 = arith.cmpi ne, %convert_element_type3A, %cond3A : i32
    scf.if %cond3A_37 {
      "tpu.region"() ({
        %run_scoped3A = tpu.sem_alloc : memref<!tpu.dma_semaphore, #tpu.memory_space<semaphore_mem>>
        tpu.enqueue_dma source(%arg4 : memref<4096x128xf32, #tpu.memory_space<hbm>>) target(%arg9 : memref<4096x128xf32, #tpu.memory_space<vmem_shared>>) target_semaphore(%run_scoped3A : memref<!tpu.dma_semaphore, #tpu.memory_space<semaphore_mem>>)
        tpu.wait_dma2 semaphore(%run_scoped3A : memref<!tpu.dma_semaphore, #tpu.memory_space<semaphore_mem>>) src(%arg4 : memref<4096x128xf32, #tpu.memory_space<hbm>>) dst(%arg9 : memref<4096x128xf32, #tpu.memory_space<vmem_shared>>)
        tpu.yield
      }) : () -> ()
      "tpu.region"() ({
        %run_scoped3A = tpu.sem_alloc : memref<!tpu.dma_semaphore, #tpu.memory_space<semaphore_mem>>
        tpu.enqueue_dma source(%arg5 : memref<4096x128xf32, #tpu.memory_space<hbm>>) target(%arg10 : memref<4096x128xf32, #tpu.memory_space<vmem_shared>>) target_semaphore(%run_scoped3A : memref<!tpu.dma_semaphore, #tpu.memory_space<semaphore_mem>>)
        tpu.wait_dma2 semaphore(%run_scoped3A : memref<!tpu.dma_semaphore, #tpu.memory_space<semaphore_mem>>) src(%arg5 : memref<4096x128xf32, #tpu.memory_space<hbm>>) dst(%arg10 : memref<4096x128xf32, #tpu.memory_space<vmem_shared>>)
        tpu.yield
      }) : () -> ()
    } else {
    }
    "tpu.region"() ({
      %run_scoped3A = tpu.sem_alloc : memref<!tpu.dma_semaphore, #tpu.memory_space<semaphore_mem>>
      %dma_start3A_80 = tpu.memref_slice %arg3[%mul3A_34] : memref<16384xi32, #tpu.memory_space<hbm>> -> memref<8192xi32, #tpu.memory_space<hbm>>
      %dma_start3A_81 = tpu.memref_slice %arg3[%mul3A_34] : memref<16384xi32, #tpu.memory_space<hbm>> -> memref<8192xi32, #tpu.memory_space<hbm>>
      tpu.enqueue_dma source(%dma_start3A_81 : memref<8192xi32, #tpu.memory_space<hbm>>) target(%arg7 : memref<8192xi32, #tpu.memory_space<vmem>>) target_semaphore(%run_scoped3A : memref<!tpu.dma_semaphore, #tpu.memory_space<semaphore_mem>>)
      %dma_wait3A_82 = tpu.memref_slice %arg3[%mul3A_34] : memref<16384xi32, #tpu.memory_space<hbm>> -> memref<8192xi32, #tpu.memory_space<hbm>>
      %dma_wait3A_83 = tpu.memref_slice %arg3[%mul3A_34] : memref<16384xi32, #tpu.memory_space<hbm>> -> memref<8192xi32, #tpu.memory_space<hbm>>
      tpu.wait_dma2 semaphore(%run_scoped3A : memref<!tpu.dma_semaphore, #tpu.memory_space<semaphore_mem>>) src(%dma_wait3A_83 : memref<8192xi32, #tpu.memory_space<hbm>>) dst(%arg7 : memref<8192xi32, #tpu.memory_space<vmem>>)
      tpu.yield
    }) : () -> ()
    %parallel_loop3A = arith.constant 0 : i32
    %parallel_loop3A_38 = arith.constant 512 : i32
    %parallel_loop3A_39 = arith.constant 1 : i32
    scf.for %parallel_loop3A_80 = %parallel_loop3A to %parallel_loop3A_38 step %parallel_loop3A_39  : i32 {
      %parallel_loop3A_81 = arith.constant 16 : i32
      %parallel_loop3A_82 = arith.muli %parallel_loop3A_80, %parallel_loop3A_81 : i32
      %parallel_loop3A_83 = arith.index_cast %parallel_loop3A_82 : i32 to index
      %parallel_loop3A_84 = tpu.vector_load %arg7[%parallel_loop3A_83] {strides = array<i32>} : memref<8192xi32, #tpu.memory_space<vmem>>, vector<16xi32>,
      %parallel_loop3A_85 = arith.constant 16 : i32
      %parallel_loop3A_86 = vector.broadcast %parallel_loop3A_85 : i32 to vector<16xi32>
      %parallel_loop3A_87 = arith.muli %parallel_loop3A_84, %parallel_loop3A_86 : vector<16xi32>
      %parallel_loop3A_88 = vector.broadcast %select_n3A_9 : i32 to vector<16xi32>
      %parallel_loop3A_89 = arith.addi %parallel_loop3A_87, %parallel_loop3A_88 : vector<16xi32>
      %parallel_loop3A_90 = arith.index_cast %parallel_loop3A_82 : i32 to index
      %parallel_loop3A_91 = tpu.vector_load %arg8[%parallel_loop3A_90] {strides = array<i32>} : memref<8192xi32, #tpu.memory_space<vmem>>, vector<16xi32>,
      tpu.vector_store %arg8[%parallel_loop3A_90], %parallel_loop3A_89 {strides = array<i32>} : memref<8192xi32, #tpu.memory_space<vmem>>, vector<16xi32>,
    } {sc.loop_unroll_factor = 8 : i64, sc.parallel_access}
    %barrier3A = arith.constant 0 : index
    tpu.barrier barrier_id(%barrier3A)
    %add3A_40 = arith.constant 0 : i32
    %add3A_41 = arith.addi %mul3A_34, %add3A_40 : i32
    %dma_start3A = tpu.memref_slice %arg2[%add3A_41, %mul3A_32] : memref<16384x2048xf32, #tpu.memory_space<hbm>> -> memref<32x128xf32, #tpu.memory_space<hbm>>
    %dma_start3A_42 = tpu.memref_slice %arg2[%add3A_41, %mul3A_32] : memref<16384x2048xf32, #tpu.memory_space<hbm>> -> memref<32x128xf32, #tpu.memory_space<hbm>>
    tpu.enqueue_dma source(%dma_start3A_42 : memref<32x128xf32, #tpu.memory_space<hbm>>) target(%arg11 : memref<32x128xf32, #tpu.memory_space<vmem>>) target_semaphore(%arg19 : memref<!tpu.dma_semaphore, #tpu.memory_space<semaphore_mem>>)
    %dma_start3A_43 = arith.constant 0 : i32
    %dma_start3A_44 = tpu.memref_slice %arg8[%dma_start3A_43] : memref<8192xi32, #tpu.memory_space<vmem>> -> memref<32xi32, #tpu.memory_space<vmem>>
    %dma_start3A_45 = arith.constant 0 : i32
    %dma_start3A_46 = arith.constant 0 : i32
    %dma_start3A_47 = tpu.memref_slice %arg9[%dma_start3A_45, %dma_start3A_46] : memref<4096x128xf32, #tpu.memory_space<vmem_shared>> -> memref<4096x128xf32, #tpu.memory_space<vmem_shared>>
    tpu.enqueue_indirect_dma source(%dma_start3A_47 : memref<4096x128xf32, #tpu.memory_space<vmem_shared>>) target(%arg15 : memref<32x128xf32, #tpu.memory_space<vmem>>) offsets(%dma_start3A_44 : memref<32xi32, #tpu.memory_space<vmem>>) semaphore(%arg23 : memref<!tpu.dma_semaphore, #tpu.memory_space<semaphore_mem>>)
    %dma_start3A_48 = arith.constant 0 : i32
    %dma_start3A_49 = tpu.memref_slice %arg8[%dma_start3A_48] : memref<8192xi32, #tpu.memory_space<vmem>> -> memref<32xi32, #tpu.memory_space<vmem>>
    %dma_start3A_50 = arith.constant 0 : i32
    %dma_start3A_51 = arith.constant 0 : i32
    %dma_start3A_52 = tpu.memref_slice %arg10[%dma_start3A_50, %dma_start3A_51] : memref<4096x128xf32, #tpu.memory_space<vmem_shared>> -> memref<4096x128xf32, #tpu.memory_space<vmem_shared>>
    tpu.enqueue_indirect_dma source(%dma_start3A_52 : memref<4096x128xf32, #tpu.memory_space<vmem_shared>>) target(%arg17 : memref<32x128xf32, #tpu.memory_space<vmem>>) offsets(%dma_start3A_49 : memref<32xi32, #tpu.memory_space<vmem>>) semaphore(%arg25 : memref<!tpu.dma_semaphore, #tpu.memory_space<semaphore_mem>>)
    %add3A_53 = arith.constant 32 : i32
    %add3A_54 = arith.addi %mul3A_34, %add3A_53 : i32
    %dma_start3A_55 = tpu.memref_slice %arg2[%add3A_54, %mul3A_32] : memref<16384x2048xf32, #tpu.memory_space<hbm>> -> memref<32x128xf32, #tpu.memory_space<hbm>>
    %dma_start3A_56 = tpu.memref_slice %arg2[%add3A_54, %mul3A_32] : memref<16384x2048xf32, #tpu.memory_space<hbm>> -> memref<32x128xf32, #tpu.memory_space<hbm>>
    tpu.enqueue_dma source(%dma_start3A_56 : memref<32x128xf32, #tpu.memory_space<hbm>>) target(%arg12 : memref<32x128xf32, #tpu.memory_space<vmem>>) target_semaphore(%arg20 : memref<!tpu.dma_semaphore, #tpu.memory_space<semaphore_mem>>)
    %dma_start3A_57 = arith.constant 32 : i32
    %dma_start3A_58 = tpu.memref_slice %arg8[%dma_start3A_57] : memref<8192xi32, #tpu.memory_space<vmem>> -> memref<32xi32, #tpu.memory_space<vmem>>
    %dma_start3A_59 = arith.constant 0 : i32
    %dma_start3A_60 = arith.constant 0 : i32
    %dma_start3A_61 = tpu.memref_slice %arg9[%dma_start3A_59, %dma_start3A_60] : memref<4096x128xf32, #tpu.memory_space<vmem_shared>> -> memref<4096x128xf32, #tpu.memory_space<vmem_shared>>
    tpu.enqueue_indirect_dma source(%dma_start3A_61 : memref<4096x128xf32, #tpu.memory_space<vmem_shared>>) target(%arg16 : memref<32x128xf32, #tpu.memory_space<vmem>>) offsets(%dma_start3A_58 : memref<32xi32, #tpu.memory_space<vmem>>) semaphore(%arg24 : memref<!tpu.dma_semaphore, #tpu.memory_space<semaphore_mem>>)
    %dma_start3A_62 = arith.constant 32 : i32
    %dma_start3A_63 = tpu.memref_slice %arg8[%dma_start3A_62] : memref<8192xi32, #tpu.memory_space<vmem>> -> memref<32xi32, #tpu.memory_space<vmem>>
    %dma_start3A_64 = arith.constant 0 : i32
    %dma_start3A_65 = arith.constant 0 : i32
    %dma_start3A_66 = tpu.memref_slice %arg10[%dma_start3A_64, %dma_start3A_65] : memref<4096x128xf32, #tpu.memory_space<vmem_shared>> -> memref<4096x128xf32, #tpu.memory_space<vmem_shared>>
    tpu.enqueue_indirect_dma source(%dma_start3A_66 : memref<4096x128xf32, #tpu.memory_space<vmem_shared>>) target(%arg18 : memref<32x128xf32, #tpu.memory_space<vmem>>) offsets(%dma_start3A_63 : memref<32xi32, #tpu.memory_space<vmem>>) semaphore(%arg26 : memref<!tpu.dma_semaphore, #tpu.memory_space<semaphore_mem>>)
    %scan3A = arith.constant 0 : i32
    %scan3A_67 = arith.constant 0 : i32
    %scan3A_68 = arith.constant 128 : i32
    %scan3A_69 = arith.addi %scan3A_67, %scan3A_68 : i32
    %scan3A_70 = arith.constant 1 : i32
    %scan3A_71 = scf.for %scan3A_80 = %scan3A_67 to %scan3A_69 step %scan3A_70 iter_args(%scan3A_81 = %scan3A) -> (i32)  : i32 {
      %mul3A_82 = arith.constant 2 : i32
      %mul3A_83 = arith.muli %scan3A_80, %mul3A_82 : i32
      %add3A_84 = arith.constant 0 : i32
      %add3A_85 = arith.addi %mul3A_83, %add3A_84 : i32
      %mul3A_86 = arith.constant 32 : i32
      %mul3A_87 = arith.muli %add3A_85, %mul3A_86 : i32
      %add3A_88 = arith.addi %mul3A_34, %mul3A_87 : i32
      %dma_wait3A_89 = tpu.memref_slice %arg2[%add3A_88, %mul3A_32] : memref<16384x2048xf32, #tpu.memory_space<hbm>> -> memref<32x128xf32, #tpu.memory_space<hbm>>
      %dma_wait3A_90 = tpu.memref_slice %arg2[%add3A_88, %mul3A_32] : memref<16384x2048xf32, #tpu.memory_space<hbm>> -> memref<32x128xf32, #tpu.memory_space<hbm>>
      tpu.wait_dma2 semaphore(%arg19 : memref<!tpu.dma_semaphore, #tpu.memory_space<semaphore_mem>>) src(%dma_wait3A_90 : memref<32x128xf32, #tpu.memory_space<hbm>>) dst(%arg11 : memref<32x128xf32, #tpu.memory_space<vmem>>)
      %mul3A_91 = arith.constant 32 : i32
      %mul3A_92 = arith.muli %add3A_85, %mul3A_91 : i32
      %dma_wait3A_93 = tpu.memref_slice %arg8[%mul3A_92] : memref<8192xi32, #tpu.memory_space<vmem>> -> memref<32xi32, #tpu.memory_space<vmem>>
      %dma_wait3A_94 = arith.constant 0 : i32
      %dma_wait3A_95 = arith.constant 0 : i32
      %dma_wait3A_96 = tpu.memref_slice %arg9[%dma_wait3A_94, %dma_wait3A_95] : memref<4096x128xf32, #tpu.memory_space<vmem_shared>> -> memref<4096x128xf32, #tpu.memory_space<vmem_shared>>
      tpu.wait_indirect_dma semaphore(%arg23 : memref<!tpu.dma_semaphore, #tpu.memory_space<semaphore_mem>>) src(%dma_wait3A_96 : memref<4096x128xf32, #tpu.memory_space<vmem_shared>>) dst(%arg15 : memref<32x128xf32, #tpu.memory_space<vmem>>)
      %mul3A_97 = arith.constant 32 : i32
      %mul3A_98 = arith.muli %add3A_85, %mul3A_97 : i32
      %dma_wait3A_99 = tpu.memref_slice %arg8[%mul3A_98] : memref<8192xi32, #tpu.memory_space<vmem>> -> memref<32xi32, #tpu.memory_space<vmem>>
      %dma_wait3A_100 = arith.constant 0 : i32
      %dma_wait3A_101 = arith.constant 0 : i32
      %dma_wait3A_102 = tpu.memref_slice %arg10[%dma_wait3A_100, %dma_wait3A_101] : memref<4096x128xf32, #tpu.memory_space<vmem_shared>> -> memref<4096x128xf32, #tpu.memory_space<vmem_shared>>
      tpu.wait_indirect_dma semaphore(%arg25 : memref<!tpu.dma_semaphore, #tpu.memory_space<semaphore_mem>>) src(%dma_wait3A_102 : memref<4096x128xf32, #tpu.memory_space<vmem_shared>>) dst(%arg17 : memref<32x128xf32, #tpu.memory_space<vmem>>)
      %ge3A = arith.constant 1 : i32
      %ge3A_103 = arith.cmpi sge, %scan3A_80, %ge3A : i32
      %convert_element_type3A_104 = arith.extui %ge3A_103 : i1 to i32
      %cond3A_105 = arith.constant 0 : i32
      %cond3A_106 = arith.cmpi ne, %convert_element_type3A_104, %cond3A_105 : i32
      scf.if %cond3A_106 {
        %dma_wait3A_158 = tpu.memref_slice %arg6[%add3A_88, %mul3A_32] : memref<16384x2048xf32, #tpu.memory_space<hbm>> -> memref<32x128xf32, #tpu.memory_space<hbm>>
        %dma_wait3A_159 = tpu.memref_slice %arg6[%add3A_88, %mul3A_32] : memref<16384x2048xf32, #tpu.memory_space<hbm>> -> memref<32x128xf32, #tpu.memory_space<hbm>>
        tpu.wait_dma2 semaphore(%arg21 : memref<!tpu.dma_semaphore, #tpu.memory_space<semaphore_mem>>) src(%arg13 : memref<32x128xf32, #tpu.memory_space<vmem>>) dst(%dma_wait3A_159 : memref<32x128xf32, #tpu.memory_space<hbm>>)
      } else {
      }
      %parallel_loop3A_107 = arith.constant 0 : i32
      %parallel_loop3A_108 = arith.constant 32 : i32
      %parallel_loop3A_109 = arith.constant 1 : i32
      scf.for %parallel_loop3A_158 = %parallel_loop3A_107 to %parallel_loop3A_108 step %parallel_loop3A_109  : i32 {
        %parallel_loop3A_159 = arith.index_cast %parallel_loop3A_158 : i32 to index
        %parallel_loop3A_160 = arith.constant 0 : index
        %parallel_loop3A_161 = tpu.vector_load %arg15[%parallel_loop3A_159, %parallel_loop3A_160] {strides = array<i32>} : memref<32x128xf32, #tpu.memory_space<vmem>>, vector<16xf32>,
        %parallel_loop3A_162 = arith.index_cast %parallel_loop3A_158 : i32 to index
        %parallel_loop3A_163 = arith.constant 0 : index
        %parallel_loop3A_164 = tpu.vector_load %arg11[%parallel_loop3A_162, %parallel_loop3A_163] {strides = array<i32>} : memref<32x128xf32, #tpu.memory_space<vmem>>, vector<16xf32>,
        %parallel_loop3A_165 = arith.mulf %parallel_loop3A_161, %parallel_loop3A_164 : vector<16xf32>
        %parallel_loop3A_166 = arith.index_cast %parallel_loop3A_158 : i32 to index
        %parallel_loop3A_167 = arith.constant 0 : index
        %parallel_loop3A_168 = tpu.vector_load %arg17[%parallel_loop3A_166, %parallel_loop3A_167] {strides = array<i32>} : memref<32x128xf32, #tpu.memory_space<vmem>>, vector<16xf32>,
        %parallel_loop3A_169 = arith.addf %parallel_loop3A_165, %parallel_loop3A_168 : vector<16xf32>
        %parallel_loop3A_170 = arith.index_cast %parallel_loop3A_158 : i32 to index
        %parallel_loop3A_171 = arith.constant 0 : index
        %parallel_loop3A_172 = tpu.vector_load %arg13[%parallel_loop3A_170, %parallel_loop3A_171] {strides = array<i32>} : memref<32x128xf32, #tpu.memory_space<vmem>>, vector<16xf32>,
        tpu.vector_store %arg13[%parallel_loop3A_170, %parallel_loop3A_171], %parallel_loop3A_169 {strides = array<i32>} : memref<32x128xf32, #tpu.memory_space<vmem>>, vector<16xf32>,
        %parallel_loop3A_173 = arith.index_cast %parallel_loop3A_158 : i32 to index
        %parallel_loop3A_174 = arith.constant 16 : index
        %parallel_loop3A_175 = tpu.vector_load %arg15[%parallel_loop3A_173, %parallel_loop3A_174] {strides = array<i32>} : memref<32x128xf32, #tpu.memory_space<vmem>>, vector<16xf32>,
        %parallel_loop3A_176 = arith.index_cast %parallel_loop3A_158 : i32 to index
        %parallel_loop3A_177 = arith.constant 16 : index
        %parallel_loop3A_178 = tpu.vector_load %arg11[%parallel_loop3A_176, %parallel_loop3A_177] {strides = array<i32>} : memref<32x128xf32, #tpu.memory_space<vmem>>, vector<16xf32>,
        %parallel_loop3A_179 = arith.mulf %parallel_loop3A_175, %parallel_loop3A_178 : vector<16xf32>
        %parallel_loop3A_180 = arith.index_cast %parallel_loop3A_158 : i32 to index
        %parallel_loop3A_181 = arith.constant 16 : index
        %parallel_loop3A_182 = tpu.vector_load %arg17[%parallel_loop3A_180, %parallel_loop3A_181] {strides = array<i32>} : memref<32x128xf32, #tpu.memory_space<vmem>>, vector<16xf32>,
        %parallel_loop3A_183 = arith.addf %parallel_loop3A_179, %parallel_loop3A_182 : vector<16xf32>
        %parallel_loop3A_184 = arith.index_cast %parallel_loop3A_158 : i32 to index
        %parallel_loop3A_185 = arith.constant 16 : index
        %parallel_loop3A_186 = tpu.vector_load %arg13[%parallel_loop3A_184, %parallel_loop3A_185] {strides = array<i32>} : memref<32x128xf32, #tpu.memory_space<vmem>>, vector<16xf32>,
        tpu.vector_store %arg13[%parallel_loop3A_184, %parallel_loop3A_185], %parallel_loop3A_183 {strides = array<i32>} : memref<32x128xf32, #tpu.memory_space<vmem>>, vector<16xf32>,
        %parallel_loop3A_187 = arith.index_cast %parallel_loop3A_158 : i32 to index
        %parallel_loop3A_188 = arith.constant 32 : index
        %parallel_loop3A_189 = tpu.vector_load %arg15[%parallel_loop3A_187, %parallel_loop3A_188] {strides = array<i32>} : memref<32x128xf32, #tpu.memory_space<vmem>>, vector<16xf32>,
        %parallel_loop3A_190 = arith.index_cast %parallel_loop3A_158 : i32 to index
        %parallel_loop3A_191 = arith.constant 32 : index
        %parallel_loop3A_192 = tpu.vector_load %arg11[%parallel_loop3A_190, %parallel_loop3A_191] {strides = array<i32>} : memref<32x128xf32, #tpu.memory_space<vmem>>, vector<16xf32>,
        %parallel_loop3A_193 = arith.mulf %parallel_loop3A_189, %parallel_loop3A_192 : vector<16xf32>
        %parallel_loop3A_194 = arith.index_cast %parallel_loop3A_158 : i32 to index
        %parallel_loop3A_195 = arith.constant 32 : index
        %parallel_loop3A_196 = tpu.vector_load %arg17[%parallel_loop3A_194, %parallel_loop3A_195] {strides = array<i32>} : memref<32x128xf32, #tpu.memory_space<vmem>>, vector<16xf32>,
        %parallel_loop3A_197 = arith.addf %parallel_loop3A_193, %parallel_loop3A_196 : vector<16xf32>
        %parallel_loop3A_198 = arith.index_cast %parallel_loop3A_158 : i32 to index
        %parallel_loop3A_199 = arith.constant 32 : index
        %parallel_loop3A_200 = tpu.vector_load %arg13[%parallel_loop3A_198, %parallel_loop3A_199] {strides = array<i32>} : memref<32x128xf32, #tpu.memory_space<vmem>>, vector<16xf32>,
        tpu.vector_store %arg13[%parallel_loop3A_198, %parallel_loop3A_199], %parallel_loop3A_197 {strides = array<i32>} : memref<32x128xf32, #tpu.memory_space<vmem>>, vector<16xf32>,
        %parallel_loop3A_201 = arith.index_cast %parallel_loop3A_158 : i32 to index
        %parallel_loop3A_202 = arith.constant 48 : index
        %parallel_loop3A_203 = tpu.vector_load %arg15[%parallel_loop3A_201, %parallel_loop3A_202] {strides = array<i32>} : memref<32x128xf32, #tpu.memory_space<vmem>>, vector<16xf32>,
        %parallel_loop3A_204 = arith.index_cast %parallel_loop3A_158 : i32 to index
        %parallel_loop3A_205 = arith.constant 48 : index
        %parallel_loop3A_206 = tpu.vector_load %arg11[%parallel_loop3A_204, %parallel_loop3A_205] {strides = array<i32>} : memref<32x128xf32, #tpu.memory_space<vmem>>, vector<16xf32>,
        %parallel_loop3A_207 = arith.mulf %parallel_loop3A_203, %parallel_loop3A_206 : vector<16xf32>
        %parallel_loop3A_208 = arith.index_cast %parallel_loop3A_158 : i32 to index
        %parallel_loop3A_209 = arith.constant 48 : index
        %parallel_loop3A_210 = tpu.vector_load %arg17[%parallel_loop3A_208, %parallel_loop3A_209] {strides = array<i32>} : memref<32x128xf32, #tpu.memory_space<vmem>>, vector<16xf32>,
        %parallel_loop3A_211 = arith.addf %parallel_loop3A_207, %parallel_loop3A_210 : vector<16xf32>
        %parallel_loop3A_212 = arith.index_cast %parallel_loop3A_158 : i32 to index
        %parallel_loop3A_213 = arith.constant 48 : index
        %parallel_loop3A_214 = tpu.vector_load %arg13[%parallel_loop3A_212, %parallel_loop3A_213] {strides = array<i32>} : memref<32x128xf32, #tpu.memory_space<vmem>>, vector<16xf32>,
        tpu.vector_store %arg13[%parallel_loop3A_212, %parallel_loop3A_213], %parallel_loop3A_211 {strides = array<i32>} : memref<32x128xf32, #tpu.memory_space<vmem>>, vector<16xf32>,
        %parallel_loop3A_215 = arith.index_cast %parallel_loop3A_158 : i32 to index
        %parallel_loop3A_216 = arith.constant 64 : index
        %parallel_loop3A_217 = tpu.vector_load %arg15[%parallel_loop3A_215, %parallel_loop3A_216] {strides = array<i32>} : memref<32x128xf32, #tpu.memory_space<vmem>>, vector<16xf32>,
        %parallel_loop3A_218 = arith.index_cast %parallel_loop3A_158 : i32 to index
        %parallel_loop3A_219 = arith.constant 64 : index
        %parallel_loop3A_220 = tpu.vector_load %arg11[%parallel_loop3A_218, %parallel_loop3A_219] {strides = array<i32>} : memref<32x128xf32, #tpu.memory_space<vmem>>, vector<16xf32>,
        %parallel_loop3A_221 = arith.mulf %parallel_loop3A_217, %parallel_loop3A_220 : vector<16xf32>
        %parallel_loop3A_222 = arith.index_cast %parallel_loop3A_158 : i32 to index
        %parallel_loop3A_223 = arith.constant 64 : index
        %parallel_loop3A_224 = tpu.vector_load %arg17[%parallel_loop3A_222, %parallel_loop3A_223] {strides = array<i32>} : memref<32x128xf32, #tpu.memory_space<vmem>>, vector<16xf32>,
        %parallel_loop3A_225 = arith.addf %parallel_loop3A_221, %parallel_loop3A_224 : vector<16xf32>
        %parallel_loop3A_226 = arith.index_cast %parallel_loop3A_158 : i32 to index
        %parallel_loop3A_227 = arith.constant 64 : index
        %parallel_loop3A_228 = tpu.vector_load %arg13[%parallel_loop3A_226, %parallel_loop3A_227] {strides = array<i32>} : memref<32x128xf32, #tpu.memory_space<vmem>>, vector<16xf32>,
        tpu.vector_store %arg13[%parallel_loop3A_226, %parallel_loop3A_227], %parallel_loop3A_225 {strides = array<i32>} : memref<32x128xf32, #tpu.memory_space<vmem>>, vector<16xf32>,
        %parallel_loop3A_229 = arith.index_cast %parallel_loop3A_158 : i32 to index
        %parallel_loop3A_230 = arith.constant 80 : index
        %parallel_loop3A_231 = tpu.vector_load %arg15[%parallel_loop3A_229, %parallel_loop3A_230] {strides = array<i32>} : memref<32x128xf32, #tpu.memory_space<vmem>>, vector<16xf32>,
        %parallel_loop3A_232 = arith.index_cast %parallel_loop3A_158 : i32 to index
        %parallel_loop3A_233 = arith.constant 80 : index
        %parallel_loop3A_234 = tpu.vector_load %arg11[%parallel_loop3A_232, %parallel_loop3A_233] {strides = array<i32>} : memref<32x128xf32, #tpu.memory_space<vmem>>, vector<16xf32>,
        %parallel_loop3A_235 = arith.mulf %parallel_loop3A_231, %parallel_loop3A_234 : vector<16xf32>
        %parallel_loop3A_236 = arith.index_cast %parallel_loop3A_158 : i32 to index
        %parallel_loop3A_237 = arith.constant 80 : index
        %parallel_loop3A_238 = tpu.vector_load %arg17[%parallel_loop3A_236, %parallel_loop3A_237] {strides = array<i32>} : memref<32x128xf32, #tpu.memory_space<vmem>>, vector<16xf32>,
        %parallel_loop3A_239 = arith.addf %parallel_loop3A_235, %parallel_loop3A_238 : vector<16xf32>
        %parallel_loop3A_240 = arith.index_cast %parallel_loop3A_158 : i32 to index
        %parallel_loop3A_241 = arith.constant 80 : index
        %parallel_loop3A_242 = tpu.vector_load %arg13[%parallel_loop3A_240, %parallel_loop3A_241] {strides = array<i32>} : memref<32x128xf32, #tpu.memory_space<vmem>>, vector<16xf32>,
        tpu.vector_store %arg13[%parallel_loop3A_240, %parallel_loop3A_241], %parallel_loop3A_239 {strides = array<i32>} : memref<32x128xf32, #tpu.memory_space<vmem>>, vector<16xf32>,
        %parallel_loop3A_243 = arith.index_cast %parallel_loop3A_158 : i32 to index
        %parallel_loop3A_244 = arith.constant 96 : index
        %parallel_loop3A_245 = tpu.vector_load %arg15[%parallel_loop3A_243, %parallel_loop3A_244] {strides = array<i32>} : memref<32x128xf32, #tpu.memory_space<vmem>>, vector<16xf32>,
        %parallel_loop3A_246 = arith.index_cast %parallel_loop3A_158 : i32 to index
        %parallel_loop3A_247 = arith.constant 96 : index
        %parallel_loop3A_248 = tpu.vector_load %arg11[%parallel_loop3A_246, %parallel_loop3A_247] {strides = array<i32>} : memref<32x128xf32, #tpu.memory_space<vmem>>, vector<16xf32>,
        %parallel_loop3A_249 = arith.mulf %parallel_loop3A_245, %parallel_loop3A_248 : vector<16xf32>
        %parallel_loop3A_250 = arith.index_cast %parallel_loop3A_158 : i32 to index
        %parallel_loop3A_251 = arith.constant 96 : index
        %parallel_loop3A_252 = tpu.vector_load %arg17[%parallel_loop3A_250, %parallel_loop3A_251] {strides = array<i32>} : memref<32x128xf32, #tpu.memory_space<vmem>>, vector<16xf32>,
        %parallel_loop3A_253 = arith.addf %parallel_loop3A_249, %parallel_loop3A_252 : vector<16xf32>
        %parallel_loop3A_254 = arith.index_cast %parallel_loop3A_158 : i32 to index
        %parallel_loop3A_255 = arith.constant 96 : index
        %parallel_loop3A_256 = tpu.vector_load %arg13[%parallel_loop3A_254, %parallel_loop3A_255] {strides = array<i32>} : memref<32x128xf32, #tpu.memory_space<vmem>>, vector<16xf32>,
        tpu.vector_store %arg13[%parallel_loop3A_254, %parallel_loop3A_255], %parallel_loop3A_253 {strides = array<i32>} : memref<32x128xf32, #tpu.memory_space<vmem>>, vector<16xf32>,
        %parallel_loop3A_257 = arith.index_cast %parallel_loop3A_158 : i32 to index
        %parallel_loop3A_258 = arith.constant 112 : index
        %parallel_loop3A_259 = tpu.vector_load %arg15[%parallel_loop3A_257, %parallel_loop3A_258] {strides = array<i32>} : memref<32x128xf32, #tpu.memory_space<vmem>>, vector<16xf32>,
        %parallel_loop3A_260 = arith.index_cast %parallel_loop3A_158 : i32 to index
        %parallel_loop3A_261 = arith.constant 112 : index
        %parallel_loop3A_262 = tpu.vector_load %arg11[%parallel_loop3A_260, %parallel_loop3A_261] {strides = array<i32>} : memref<32x128xf32, #tpu.memory_space<vmem>>, vector<16xf32>,
        %parallel_loop3A_263 = arith.mulf %parallel_loop3A_259, %parallel_loop3A_262 : vector<16xf32>
        %parallel_loop3A_264 = arith.index_cast %parallel_loop3A_158 : i32 to index
        %parallel_loop3A_265 = arith.constant 112 : index
        %parallel_loop3A_266 = tpu.vector_load %arg17[%parallel_loop3A_264, %parallel_loop3A_265] {strides = array<i32>} : memref<32x128xf32, #tpu.memory_space<vmem>>, vector<16xf32>,
        %parallel_loop3A_267 = arith.addf %parallel_loop3A_263, %parallel_loop3A_266 : vector<16xf32>
        %parallel_loop3A_268 = arith.index_cast %parallel_loop3A_158 : i32 to index
        %parallel_loop3A_269 = arith.constant 112 : index
        %parallel_loop3A_270 = tpu.vector_load %arg13[%parallel_loop3A_268, %parallel_loop3A_269] {strides = array<i32>} : memref<32x128xf32, #tpu.memory_space<vmem>>, vector<16xf32>,
        tpu.vector_store %arg13[%parallel_loop3A_268, %parallel_loop3A_269], %parallel_loop3A_267 {strides = array<i32>} : memref<32x128xf32, #tpu.memory_space<vmem>>, vector<16xf32>,
      } {sc.loop_unroll_factor = 4 : i64, sc.parallel_access}
      %dma_start3A_110 = tpu.memref_slice %arg6[%add3A_88, %mul3A_32] : memref<16384x2048xf32, #tpu.memory_space<hbm>> -> memref<32x128xf32, #tpu.memory_space<hbm>>
      %dma_start3A_111 = tpu.memref_slice %arg6[%add3A_88, %mul3A_32] : memref<16384x2048xf32, #tpu.memory_space<hbm>> -> memref<32x128xf32, #tpu.memory_space<hbm>>
      tpu.enqueue_dma source(%arg13 : memref<32x128xf32, #tpu.memory_space<vmem>>) target(%dma_start3A_111 : memref<32x128xf32, #tpu.memory_space<hbm>>) target_semaphore(%arg21 : memref<!tpu.dma_semaphore, #tpu.memory_space<semaphore_mem>>)
      %add3A_112 = arith.constant 2 : i32
      %add3A_113 = arith.addi %add3A_85, %add3A_112 : i32
      %lt3A_114 = arith.constant 256 : i32
      %lt3A_115 = arith.cmpi slt, %add3A_113, %lt3A_114 : i32
      %convert_element_type3A_116 = arith.extui %lt3A_115 : i1 to i32
      %cond3A_117 = arith.constant 0 : i32
      %cond3A_118 = arith.cmpi ne, %convert_element_type3A_116, %cond3A_117 : i32
      scf.if %cond3A_118 {
        %add3A_158 = arith.constant 64 : i32
        %add3A_159 = arith.addi %add3A_88, %add3A_158 : i32
        %dma_start3A_160 = tpu.memref_slice %arg2[%add3A_159, %mul3A_32] : memref<16384x2048xf32, #tpu.memory_space<hbm>> -> memref<32x128xf32, #tpu.memory_space<hbm>>
        %dma_start3A_161 = tpu.memref_slice %arg2[%add3A_159, %mul3A_32] : memref<16384x2048xf32, #tpu.memory_space<hbm>> -> memref<32x128xf32, #tpu.memory_space<hbm>>
        tpu.enqueue_dma source(%dma_start3A_161 : memref<32x128xf32, #tpu.memory_space<hbm>>) target(%arg11 : memref<32x128xf32, #tpu.memory_space<vmem>>) target_semaphore(%arg19 : memref<!tpu.dma_semaphore, #tpu.memory_space<semaphore_mem>>)
        %add3A_162 = arith.constant 2 : i32
        %add3A_163 = arith.addi %add3A_85, %add3A_162 : i32
        %mul3A_164 = arith.constant 32 : i32
        %mul3A_165 = arith.muli %add3A_163, %mul3A_164 : i32
        %dma_start3A_166 = tpu.memref_slice %arg8[%mul3A_165] : memref<8192xi32, #tpu.memory_space<vmem>> -> memref<32xi32, #tpu.memory_space<vmem>>
        %dma_start3A_167 = arith.constant 0 : i32
        %dma_start3A_168 = arith.constant 0 : i32
        %dma_start3A_169 = tpu.memref_slice %arg9[%dma_start3A_167, %dma_start3A_168] : memref<4096x128xf32, #tpu.memory_space<vmem_shared>> -> memref<4096x128xf32, #tpu.memory_space<vmem_shared>>
        tpu.enqueue_indirect_dma source(%dma_start3A_169 : memref<4096x128xf32, #tpu.memory_space<vmem_shared>>) target(%arg15 : memref<32x128xf32, #tpu.memory_space<vmem>>) offsets(%dma_start3A_166 : memref<32xi32, #tpu.memory_space<vmem>>) semaphore(%arg23 : memref<!tpu.dma_semaphore, #tpu.memory_space<semaphore_mem>>)
        %add3A_170 = arith.constant 2 : i32
        %add3A_171 = arith.addi %add3A_85, %add3A_170 : i32
        %mul3A_172 = arith.constant 32 : i32
        %mul3A_173 = arith.muli %add3A_171, %mul3A_172 : i32
        %dma_start3A_174 = tpu.memref_slice %arg8[%mul3A_173] : memref<8192xi32, #tpu.memory_space<vmem>> -> memref<32xi32, #tpu.memory_space<vmem>>
        %dma_start3A_175 = arith.constant 0 : i32
        %dma_start3A_176 = arith.constant 0 : i32
        %dma_start3A_177 = tpu.memref_slice %arg10[%dma_start3A_175, %dma_start3A_176] : memref<4096x128xf32, #tpu.memory_space<vmem_shared>> -> memref<4096x128xf32, #tpu.memory_space<vmem_shared>>
        tpu.enqueue_indirect_dma source(%dma_start3A_177 : memref<4096x128xf32, #tpu.memory_space<vmem_shared>>) target(%arg17 : memref<32x128xf32, #tpu.memory_space<vmem>>) offsets(%dma_start3A_174 : memref<32xi32, #tpu.memory_space<vmem>>) semaphore(%arg25 : memref<!tpu.dma_semaphore, #tpu.memory_space<semaphore_mem>>)
      } else {
      }
      %mul3A_119 = arith.constant 2 : i32
      %mul3A_120 = arith.muli %scan3A_80, %mul3A_119 : i32
      %add3A_121 = arith.constant 1 : i32
      %add3A_122 = arith.addi %mul3A_120, %add3A_121 : i32
      %mul3A_123 = arith.constant 32 : i32
      %mul3A_124 = arith.muli %add3A_122, %mul3A_123 : i32
      %add3A_125 = arith.addi %mul3A_34, %mul3A_124 : i32
      %dma_wait3A_126 = tpu.memref_slice %arg2[%add3A_125, %mul3A_32] : memref<16384x2048xf32, #tpu.memory_space<hbm>> -> memref<32x128xf32, #tpu.memory_space<hbm>>
      %dma_wait3A_127 = tpu.memref_slice %arg2[%add3A_125, %mul3A_32] : memref<16384x2048xf32, #tpu.memory_space<hbm>> -> memref<32x128xf32, #tpu.memory_space<hbm>>
      tpu.wait_dma2 semaphore(%arg20 : memref<!tpu.dma_semaphore, #tpu.memory_space<semaphore_mem>>) src(%dma_wait3A_127 : memref<32x128xf32, #tpu.memory_space<hbm>>) dst(%arg12 : memref<32x128xf32, #tpu.memory_space<vmem>>)
      %mul3A_128 = arith.constant 32 : i32
      %mul3A_129 = arith.muli %add3A_122, %mul3A_128 : i32
      %dma_wait3A_130 = tpu.memref_slice %arg8[%mul3A_129] : memref<8192xi32, #tpu.memory_space<vmem>> -> memref<32xi32, #tpu.memory_space<vmem>>
      %dma_wait3A_131 = arith.constant 0 : i32
      %dma_wait3A_132 = arith.constant 0 : i32
      %dma_wait3A_133 = tpu.memref_slice %arg9[%dma_wait3A_131, %dma_wait3A_132] : memref<4096x128xf32, #tpu.memory_space<vmem_shared>> -> memref<4096x128xf32, #tpu.memory_space<vmem_shared>>
      tpu.wait_indirect_dma semaphore(%arg24 : memref<!tpu.dma_semaphore, #tpu.memory_space<semaphore_mem>>) src(%dma_wait3A_133 : memref<4096x128xf32, #tpu.memory_space<vmem_shared>>) dst(%arg16 : memref<32x128xf32, #tpu.memory_space<vmem>>)
      %mul3A_134 = arith.constant 32 : i32
      %mul3A_135 = arith.muli %add3A_122, %mul3A_134 : i32
      %dma_wait3A_136 = tpu.memref_slice %arg8[%mul3A_135] : memref<8192xi32, #tpu.memory_space<vmem>> -> memref<32xi32, #tpu.memory_space<vmem>>
      %dma_wait3A_137 = arith.constant 0 : i32
      %dma_wait3A_138 = arith.constant 0 : i32
      %dma_wait3A_139 = tpu.memref_slice %arg10[%dma_wait3A_137, %dma_wait3A_138] : memref<4096x128xf32, #tpu.memory_space<vmem_shared>> -> memref<4096x128xf32, #tpu.memory_space<vmem_shared>>
      tpu.wait_indirect_dma semaphore(%arg26 : memref<!tpu.dma_semaphore, #tpu.memory_space<semaphore_mem>>) src(%dma_wait3A_139 : memref<4096x128xf32, #tpu.memory_space<vmem_shared>>) dst(%arg18 : memref<32x128xf32, #tpu.memory_space<vmem>>)
      %ge3A_140 = arith.constant 1 : i32
      %ge3A_141 = arith.cmpi sge, %scan3A_80, %ge3A_140 : i32
      %convert_element_type3A_142 = arith.extui %ge3A_141 : i1 to i32
      %cond3A_143 = arith.constant 0 : i32
      %cond3A_144 = arith.cmpi ne, %convert_element_type3A_142, %cond3A_143 : i32
      scf.if %cond3A_144 {
        %dma_wait3A_158 = tpu.memref_slice %arg6[%add3A_125, %mul3A_32] : memref<16384x2048xf32, #tpu.memory_space<hbm>> -> memref<32x128xf32, #tpu.memory_space<hbm>>
        %dma_wait3A_159 = tpu.memref_slice %arg6[%add3A_125, %mul3A_32] : memref<16384x2048xf32, #tpu.memory_space<hbm>> -> memref<32x128xf32, #tpu.memory_space<hbm>>
        tpu.wait_dma2 semaphore(%arg22 : memref<!tpu.dma_semaphore, #tpu.memory_space<semaphore_mem>>) src(%arg14 : memref<32x128xf32, #tpu.memory_space<vmem>>) dst(%dma_wait3A_159 : memref<32x128xf32, #tpu.memory_space<hbm>>)
      } else {
      }
      %parallel_loop3A_145 = arith.constant 0 : i32
      %parallel_loop3A_146 = arith.constant 32 : i32
      %parallel_loop3A_147 = arith.constant 1 : i32
      scf.for %parallel_loop3A_158 = %parallel_loop3A_145 to %parallel_loop3A_146 step %parallel_loop3A_147  : i32 {
        %parallel_loop3A_159 = arith.index_cast %parallel_loop3A_158 : i32 to index
        %parallel_loop3A_160 = arith.constant 0 : index
        %parallel_loop3A_161 = tpu.vector_load %arg16[%parallel_loop3A_159, %parallel_loop3A_160] {strides = array<i32>} : memref<32x128xf32, #tpu.memory_space<vmem>>, vector<16xf32>,
        %parallel_loop3A_162 = arith.index_cast %parallel_loop3A_158 : i32 to index
        %parallel_loop3A_163 = arith.constant 0 : index
        %parallel_loop3A_164 = tpu.vector_load %arg12[%parallel_loop3A_162, %parallel_loop3A_163] {strides = array<i32>} : memref<32x128xf32, #tpu.memory_space<vmem>>, vector<16xf32>,
        %parallel_loop3A_165 = arith.mulf %parallel_loop3A_161, %parallel_loop3A_164 : vector<16xf32>
        %parallel_loop3A_166 = arith.index_cast %parallel_loop3A_158 : i32 to index
        %parallel_loop3A_167 = arith.constant 0 : index
        %parallel_loop3A_168 = tpu.vector_load %arg18[%parallel_loop3A_166, %parallel_loop3A_167] {strides = array<i32>} : memref<32x128xf32, #tpu.memory_space<vmem>>, vector<16xf32>,
        %parallel_loop3A_169 = arith.addf %parallel_loop3A_165, %parallel_loop3A_168 : vector<16xf32>
        %parallel_loop3A_170 = arith.index_cast %parallel_loop3A_158 : i32 to index
        %parallel_loop3A_171 = arith.constant 0 : index
        %parallel_loop3A_172 = tpu.vector_load %arg14[%parallel_loop3A_170, %parallel_loop3A_171] {strides = array<i32>} : memref<32x128xf32, #tpu.memory_space<vmem>>, vector<16xf32>,
        tpu.vector_store %arg14[%parallel_loop3A_170, %parallel_loop3A_171], %parallel_loop3A_169 {strides = array<i32>} : memref<32x128xf32, #tpu.memory_space<vmem>>, vector<16xf32>,
        %parallel_loop3A_173 = arith.index_cast %parallel_loop3A_158 : i32 to index
        %parallel_loop3A_174 = arith.constant 16 : index
        %parallel_loop3A_175 = tpu.vector_load %arg16[%parallel_loop3A_173, %parallel_loop3A_174] {strides = array<i32>} : memref<32x128xf32, #tpu.memory_space<vmem>>, vector<16xf32>,
        %parallel_loop3A_176 = arith.index_cast %parallel_loop3A_158 : i32 to index
        %parallel_loop3A_177 = arith.constant 16 : index
        %parallel_loop3A_178 = tpu.vector_load %arg12[%parallel_loop3A_176, %parallel_loop3A_177] {strides = array<i32>} : memref<32x128xf32, #tpu.memory_space<vmem>>, vector<16xf32>,
        %parallel_loop3A_179 = arith.mulf %parallel_loop3A_175, %parallel_loop3A_178 : vector<16xf32>
        %parallel_loop3A_180 = arith.index_cast %parallel_loop3A_158 : i32 to index
        %parallel_loop3A_181 = arith.constant 16 : index
        %parallel_loop3A_182 = tpu.vector_load %arg18[%parallel_loop3A_180, %parallel_loop3A_181] {strides = array<i32>} : memref<32x128xf32, #tpu.memory_space<vmem>>, vector<16xf32>,
        %parallel_loop3A_183 = arith.addf %parallel_loop3A_179, %parallel_loop3A_182 : vector<16xf32>
        %parallel_loop3A_184 = arith.index_cast %parallel_loop3A_158 : i32 to index
        %parallel_loop3A_185 = arith.constant 16 : index
        %parallel_loop3A_186 = tpu.vector_load %arg14[%parallel_loop3A_184, %parallel_loop3A_185] {strides = array<i32>} : memref<32x128xf32, #tpu.memory_space<vmem>>, vector<16xf32>,
        tpu.vector_store %arg14[%parallel_loop3A_184, %parallel_loop3A_185], %parallel_loop3A_183 {strides = array<i32>} : memref<32x128xf32, #tpu.memory_space<vmem>>, vector<16xf32>,
        %parallel_loop3A_187 = arith.index_cast %parallel_loop3A_158 : i32 to index
        %parallel_loop3A_188 = arith.constant 32 : index
        %parallel_loop3A_189 = tpu.vector_load %arg16[%parallel_loop3A_187, %parallel_loop3A_188] {strides = array<i32>} : memref<32x128xf32, #tpu.memory_space<vmem>>, vector<16xf32>,
        %parallel_loop3A_190 = arith.index_cast %parallel_loop3A_158 : i32 to index
        %parallel_loop3A_191 = arith.constant 32 : index
        %parallel_loop3A_192 = tpu.vector_load %arg12[%parallel_loop3A_190, %parallel_loop3A_191] {strides = array<i32>} : memref<32x128xf32, #tpu.memory_space<vmem>>, vector<16xf32>,
        %parallel_loop3A_193 = arith.mulf %parallel_loop3A_189, %parallel_loop3A_192 : vector<16xf32>
        %parallel_loop3A_194 = arith.index_cast %parallel_loop3A_158 : i32 to index
        %parallel_loop3A_195 = arith.constant 32 : index
        %parallel_loop3A_196 = tpu.vector_load %arg18[%parallel_loop3A_194, %parallel_loop3A_195] {strides = array<i32>} : memref<32x128xf32, #tpu.memory_space<vmem>>, vector<16xf32>,
        %parallel_loop3A_197 = arith.addf %parallel_loop3A_193, %parallel_loop3A_196 : vector<16xf32>
        %parallel_loop3A_198 = arith.index_cast %parallel_loop3A_158 : i32 to index
        %parallel_loop3A_199 = arith.constant 32 : index
        %parallel_loop3A_200 = tpu.vector_load %arg14[%parallel_loop3A_198, %parallel_loop3A_199] {strides = array<i32>} : memref<32x128xf32, #tpu.memory_space<vmem>>, vector<16xf32>,
        tpu.vector_store %arg14[%parallel_loop3A_198, %parallel_loop3A_199], %parallel_loop3A_197 {strides = array<i32>} : memref<32x128xf32, #tpu.memory_space<vmem>>, vector<16xf32>,
        %parallel_loop3A_201 = arith.index_cast %parallel_loop3A_158 : i32 to index
        %parallel_loop3A_202 = arith.constant 48 : index
        %parallel_loop3A_203 = tpu.vector_load %arg16[%parallel_loop3A_201, %parallel_loop3A_202] {strides = array<i32>} : memref<32x128xf32, #tpu.memory_space<vmem>>, vector<16xf32>,
        %parallel_loop3A_204 = arith.index_cast %parallel_loop3A_158 : i32 to index
        %parallel_loop3A_205 = arith.constant 48 : index
        %parallel_loop3A_206 = tpu.vector_load %arg12[%parallel_loop3A_204, %parallel_loop3A_205] {strides = array<i32>} : memref<32x128xf32, #tpu.memory_space<vmem>>, vector<16xf32>,
        %parallel_loop3A_207 = arith.mulf %parallel_loop3A_203, %parallel_loop3A_206 : vector<16xf32>
        %parallel_loop3A_208 = arith.index_cast %parallel_loop3A_158 : i32 to index
        %parallel_loop3A_209 = arith.constant 48 : index
        %parallel_loop3A_210 = tpu.vector_load %arg18[%parallel_loop3A_208, %parallel_loop3A_209] {strides = array<i32>} : memref<32x128xf32, #tpu.memory_space<vmem>>, vector<16xf32>,
        %parallel_loop3A_211 = arith.addf %parallel_loop3A_207, %parallel_loop3A_210 : vector<16xf32>
        %parallel_loop3A_212 = arith.index_cast %parallel_loop3A_158 : i32 to index
        %parallel_loop3A_213 = arith.constant 48 : index
        %parallel_loop3A_214 = tpu.vector_load %arg14[%parallel_loop3A_212, %parallel_loop3A_213] {strides = array<i32>} : memref<32x128xf32, #tpu.memory_space<vmem>>, vector<16xf32>,
        tpu.vector_store %arg14[%parallel_loop3A_212, %parallel_loop3A_213], %parallel_loop3A_211 {strides = array<i32>} : memref<32x128xf32, #tpu.memory_space<vmem>>, vector<16xf32>,
        %parallel_loop3A_215 = arith.index_cast %parallel_loop3A_158 : i32 to index
        %parallel_loop3A_216 = arith.constant 64 : index
        %parallel_loop3A_217 = tpu.vector_load %arg16[%parallel_loop3A_215, %parallel_loop3A_216] {strides = array<i32>} : memref<32x128xf32, #tpu.memory_space<vmem>>, vector<16xf32>,
        %parallel_loop3A_218 = arith.index_cast %parallel_loop3A_158 : i32 to index
        %parallel_loop3A_219 = arith.constant 64 : index
        %parallel_loop3A_220 = tpu.vector_load %arg12[%parallel_loop3A_218, %parallel_loop3A_219] {strides = array<i32>} : memref<32x128xf32, #tpu.memory_space<vmem>>, vector<16xf32>,
        %parallel_loop3A_221 = arith.mulf %parallel_loop3A_217, %parallel_loop3A_220 : vector<16xf32>
        %parallel_loop3A_222 = arith.index_cast %parallel_loop3A_158 : i32 to index
        %parallel_loop3A_223 = arith.constant 64 : index
        %parallel_loop3A_224 = tpu.vector_load %arg18[%parallel_loop3A_222, %parallel_loop3A_223] {strides = array<i32>} : memref<32x128xf32, #tpu.memory_space<vmem>>, vector<16xf32>,
        %parallel_loop3A_225 = arith.addf %parallel_loop3A_221, %parallel_loop3A_224 : vector<16xf32>
        %parallel_loop3A_226 = arith.index_cast %parallel_loop3A_158 : i32 to index
        %parallel_loop3A_227 = arith.constant 64 : index
        %parallel_loop3A_228 = tpu.vector_load %arg14[%parallel_loop3A_226, %parallel_loop3A_227] {strides = array<i32>} : memref<32x128xf32, #tpu.memory_space<vmem>>, vector<16xf32>,
        tpu.vector_store %arg14[%parallel_loop3A_226, %parallel_loop3A_227], %parallel_loop3A_225 {strides = array<i32>} : memref<32x128xf32, #tpu.memory_space<vmem>>, vector<16xf32>,
        %parallel_loop3A_229 = arith.index_cast %parallel_loop3A_158 : i32 to index
        %parallel_loop3A_230 = arith.constant 80 : index
        %parallel_loop3A_231 = tpu.vector_load %arg16[%parallel_loop3A_229, %parallel_loop3A_230] {strides = array<i32>} : memref<32x128xf32, #tpu.memory_space<vmem>>, vector<16xf32>,
        %parallel_loop3A_232 = arith.index_cast %parallel_loop3A_158 : i32 to index
        %parallel_loop3A_233 = arith.constant 80 : index
        %parallel_loop3A_234 = tpu.vector_load %arg12[%parallel_loop3A_232, %parallel_loop3A_233] {strides = array<i32>} : memref<32x128xf32, #tpu.memory_space<vmem>>, vector<16xf32>,
        %parallel_loop3A_235 = arith.mulf %parallel_loop3A_231, %parallel_loop3A_234 : vector<16xf32>
        %parallel_loop3A_236 = arith.index_cast %parallel_loop3A_158 : i32 to index
        %parallel_loop3A_237 = arith.constant 80 : index
        %parallel_loop3A_238 = tpu.vector_load %arg18[%parallel_loop3A_236, %parallel_loop3A_237] {strides = array<i32>} : memref<32x128xf32, #tpu.memory_space<vmem>>, vector<16xf32>,
        %parallel_loop3A_239 = arith.addf %parallel_loop3A_235, %parallel_loop3A_238 : vector<16xf32>
        %parallel_loop3A_240 = arith.index_cast %parallel_loop3A_158 : i32 to index
        %parallel_loop3A_241 = arith.constant 80 : index
        %parallel_loop3A_242 = tpu.vector_load %arg14[%parallel_loop3A_240, %parallel_loop3A_241] {strides = array<i32>} : memref<32x128xf32, #tpu.memory_space<vmem>>, vector<16xf32>,
        tpu.vector_store %arg14[%parallel_loop3A_240, %parallel_loop3A_241], %parallel_loop3A_239 {strides = array<i32>} : memref<32x128xf32, #tpu.memory_space<vmem>>, vector<16xf32>,
        %parallel_loop3A_243 = arith.index_cast %parallel_loop3A_158 : i32 to index
        %parallel_loop3A_244 = arith.constant 96 : index
        %parallel_loop3A_245 = tpu.vector_load %arg16[%parallel_loop3A_243, %parallel_loop3A_244] {strides = array<i32>} : memref<32x128xf32, #tpu.memory_space<vmem>>, vector<16xf32>,
        %parallel_loop3A_246 = arith.index_cast %parallel_loop3A_158 : i32 to index
        %parallel_loop3A_247 = arith.constant 96 : index
        %parallel_loop3A_248 = tpu.vector_load %arg12[%parallel_loop3A_246, %parallel_loop3A_247] {strides = array<i32>} : memref<32x128xf32, #tpu.memory_space<vmem>>, vector<16xf32>,
        %parallel_loop3A_249 = arith.mulf %parallel_loop3A_245, %parallel_loop3A_248 : vector<16xf32>
        %parallel_loop3A_250 = arith.index_cast %parallel_loop3A_158 : i32 to index
        %parallel_loop3A_251 = arith.constant 96 : index
        %parallel_loop3A_252 = tpu.vector_load %arg18[%parallel_loop3A_250, %parallel_loop3A_251] {strides = array<i32>} : memref<32x128xf32, #tpu.memory_space<vmem>>, vector<16xf32>,
        %parallel_loop3A_253 = arith.addf %parallel_loop3A_249, %parallel_loop3A_252 : vector<16xf32>
        %parallel_loop3A_254 = arith.index_cast %parallel_loop3A_158 : i32 to index
        %parallel_loop3A_255 = arith.constant 96 : index
        %parallel_loop3A_256 = tpu.vector_load %arg14[%parallel_loop3A_254, %parallel_loop3A_255] {strides = array<i32>} : memref<32x128xf32, #tpu.memory_space<vmem>>, vector<16xf32>,
        tpu.vector_store %arg14[%parallel_loop3A_254, %parallel_loop3A_255], %parallel_loop3A_253 {strides = array<i32>} : memref<32x128xf32, #tpu.memory_space<vmem>>, vector<16xf32>,
        %parallel_loop3A_257 = arith.index_cast %parallel_loop3A_158 : i32 to index
        %parallel_loop3A_258 = arith.constant 112 : index
        %parallel_loop3A_259 = tpu.vector_load %arg16[%parallel_loop3A_257, %parallel_loop3A_258] {strides = array<i32>} : memref<32x128xf32, #tpu.memory_space<vmem>>, vector<16xf32>,
        %parallel_loop3A_260 = arith.index_cast %parallel_loop3A_158 : i32 to index
        %parallel_loop3A_261 = arith.constant 112 : index
        %parallel_loop3A_262 = tpu.vector_load %arg12[%parallel_loop3A_260, %parallel_loop3A_261] {strides = array<i32>} : memref<32x128xf32, #tpu.memory_space<vmem>>, vector<16xf32>,
        %parallel_loop3A_263 = arith.mulf %parallel_loop3A_259, %parallel_loop3A_262 : vector<16xf32>
        %parallel_loop3A_264 = arith.index_cast %parallel_loop3A_158 : i32 to index
        %parallel_loop3A_265 = arith.constant 112 : index
        %parallel_loop3A_266 = tpu.vector_load %arg18[%parallel_loop3A_264, %parallel_loop3A_265] {strides = array<i32>} : memref<32x128xf32, #tpu.memory_space<vmem>>, vector<16xf32>,
        %parallel_loop3A_267 = arith.addf %parallel_loop3A_263, %parallel_loop3A_266 : vector<16xf32>
        %parallel_loop3A_268 = arith.index_cast %parallel_loop3A_158 : i32 to index
        %parallel_loop3A_269 = arith.constant 112 : index
        %parallel_loop3A_270 = tpu.vector_load %arg14[%parallel_loop3A_268, %parallel_loop3A_269] {strides = array<i32>} : memref<32x128xf32, #tpu.memory_space<vmem>>, vector<16xf32>,
        tpu.vector_store %arg14[%parallel_loop3A_268, %parallel_loop3A_269], %parallel_loop3A_267 {strides = array<i32>} : memref<32x128xf32, #tpu.memory_space<vmem>>, vector<16xf32>,
      } {sc.loop_unroll_factor = 4 : i64, sc.parallel_access}
      %dma_start3A_148 = tpu.memref_slice %arg6[%add3A_125, %mul3A_32] : memref<16384x2048xf32, #tpu.memory_space<hbm>> -> memref<32x128xf32, #tpu.memory_space<hbm>>
      %dma_start3A_149 = tpu.memref_slice %arg6[%add3A_125, %mul3A_32] : memref<16384x2048xf32, #tpu.memory_space<hbm>> -> memref<32x128xf32, #tpu.memory_space<hbm>>
      tpu.enqueue_dma source(%arg14 : memref<32x128xf32, #tpu.memory_space<vmem>>) target(%dma_start3A_149 : memref<32x128xf32, #tpu.memory_space<hbm>>) target_semaphore(%arg22 : memref<!tpu.dma_semaphore, #tpu.memory_space<semaphore_mem>>)
      %add3A_150 = arith.constant 2 : i32
      %add3A_151 = arith.addi %add3A_122, %add3A_150 : i32
      %lt3A_152 = arith.constant 256 : i32
      %lt3A_153 = arith.cmpi slt, %add3A_151, %lt3A_152 : i32
      %convert_element_type3A_154 = arith.extui %lt3A_153 : i1 to i32
      %cond3A_155 = arith.constant 0 : i32
      %cond3A_156 = arith.cmpi ne, %convert_element_type3A_154, %cond3A_155 : i32
      scf.if %cond3A_156 {
        %add3A_158 = arith.constant 64 : i32
        %add3A_159 = arith.addi %add3A_125, %add3A_158 : i32
        %dma_start3A_160 = tpu.memref_slice %arg2[%add3A_159, %mul3A_32] : memref<16384x2048xf32, #tpu.memory_space<hbm>> -> memref<32x128xf32, #tpu.memory_space<hbm>>
        %dma_start3A_161 = tpu.memref_slice %arg2[%add3A_159, %mul3A_32] : memref<16384x2048xf32, #tpu.memory_space<hbm>> -> memref<32x128xf32, #tpu.memory_space<hbm>>
        tpu.enqueue_dma source(%dma_start3A_161 : memref<32x128xf32, #tpu.memory_space<hbm>>) target(%arg12 : memref<32x128xf32, #tpu.memory_space<vmem>>) target_semaphore(%arg20 : memref<!tpu.dma_semaphore, #tpu.memory_space<semaphore_mem>>)
        %add3A_162 = arith.constant 2 : i32
        %add3A_163 = arith.addi %add3A_122, %add3A_162 : i32
        %mul3A_164 = arith.constant 32 : i32
        %mul3A_165 = arith.muli %add3A_163, %mul3A_164 : i32
        %dma_start3A_166 = tpu.memref_slice %arg8[%mul3A_165] : memref<8192xi32, #tpu.memory_space<vmem>> -> memref<32xi32, #tpu.memory_space<vmem>>
        %dma_start3A_167 = arith.constant 0 : i32
        %dma_start3A_168 = arith.constant 0 : i32
        %dma_start3A_169 = tpu.memref_slice %arg9[%dma_start3A_167, %dma_start3A_168] : memref<4096x128xf32, #tpu.memory_space<vmem_shared>> -> memref<4096x128xf32, #tpu.memory_space<vmem_shared>>
        tpu.enqueue_indirect_dma source(%dma_start3A_169 : memref<4096x128xf32, #tpu.memory_space<vmem_shared>>) target(%arg16 : memref<32x128xf32, #tpu.memory_space<vmem>>) offsets(%dma_start3A_166 : memref<32xi32, #tpu.memory_space<vmem>>) semaphore(%arg24 : memref<!tpu.dma_semaphore, #tpu.memory_space<semaphore_mem>>)
        %add3A_170 = arith.constant 2 : i32
        %add3A_171 = arith.addi %add3A_122, %add3A_170 : i32
        %mul3A_172 = arith.constant 32 : i32
        %mul3A_173 = arith.muli %add3A_171, %mul3A_172 : i32
        %dma_start3A_174 = tpu.memref_slice %arg8[%mul3A_173] : memref<8192xi32, #tpu.memory_space<vmem>> -> memref<32xi32, #tpu.memory_space<vmem>>
        %dma_start3A_175 = arith.constant 0 : i32
        %dma_start3A_176 = arith.constant 0 : i32
        %dma_start3A_177 = tpu.memref_slice %arg10[%dma_start3A_175, %dma_start3A_176] : memref<4096x128xf32, #tpu.memory_space<vmem_shared>> -> memref<4096x128xf32, #tpu.memory_space<vmem_shared>>
        tpu.enqueue_indirect_dma source(%dma_start3A_177 : memref<4096x128xf32, #tpu.memory_space<vmem_shared>>) target(%arg18 : memref<32x128xf32, #tpu.memory_space<vmem>>) offsets(%dma_start3A_174 : memref<32xi32, #tpu.memory_space<vmem>>) semaphore(%arg26 : memref<!tpu.dma_semaphore, #tpu.memory_space<semaphore_mem>>)
      } else {
      }
      %scan3A_157 = arith.constant 0 : i32
      scf.yield %scan3A_157 : i32
    }
    %scan3A_72 = arith.constant 128 : i32
    %add3A_73 = arith.constant 8128 : i32
    %add3A_74 = arith.addi %mul3A_34, %add3A_73 : i32
    %dma_wait3A = tpu.memref_slice %arg6[%add3A_74, %mul3A_32] : memref<16384x2048xf32, #tpu.memory_space<hbm>> -> memref<32x128xf32, #tpu.memory_space<hbm>>
    %dma_wait3A_75 = tpu.memref_slice %arg6[%add3A_74, %mul3A_32] : memref<16384x2048xf32, #tpu.memory_space<hbm>> -> memref<32x128xf32, #tpu.memory_space<hbm>>
    tpu.wait_dma2 semaphore(%arg21 : memref<!tpu.dma_semaphore, #tpu.memory_space<semaphore_mem>>) src(%arg13 : memref<32x128xf32, #tpu.memory_space<vmem>>) dst(%dma_wait3A_75 : memref<32x128xf32, #tpu.memory_space<hbm>>)
    %add3A_76 = arith.constant 8160 : i32
    %add3A_77 = arith.addi %mul3A_34, %add3A_76 : i32
    %dma_wait3A_78 = tpu.memref_slice %arg6[%add3A_77, %mul3A_32] : memref<16384x2048xf32, #tpu.memory_space<hbm>> -> memref<32x128xf32, #tpu.memory_space<hbm>>
    %dma_wait3A_79 = tpu.memref_slice %arg6[%add3A_77, %mul3A_32] : memref<16384x2048xf32, #tpu.memory_space<hbm>> -> memref<32x128xf32, #tpu.memory_space<hbm>>
    tpu.wait_dma2 semaphore(%arg22 : memref<!tpu.dma_semaphore, #tpu.memory_space<semaphore_mem>>) src(%arg14 : memref<32x128xf32, #tpu.memory_space<vmem>>) dst(%dma_wait3A_79 : memref<32x128xf32, #tpu.memory_space<hbm>>)
    return
  }
}

</mosaic_0001>

<sc_bundles>
// kernel: kernel.3.cloned.1.call-start
scs
__scs_entry_jumppad:
0x0: {  	(pc) =	sbr.rel $0x88, $3  }
0x1: {  	(tag) =	ssettag $0x0;
	lr =	simm.s32 $0x1  }
0x2: {  	[smem:$0x3F9D] =	sst lr;
	_ =	strace $0xD0000000  }
0x3: {  	_ = 	snop  }
0x4: {  	_ = 	snop  }
0x5: {  	_ = 	snop  }
0x6: {  	_ = 	snop  }
0x7: {  	_ = 	snop  }
__scs_overlays_trampoline_lowered:
0x8: {  	[smem:$0x3FAC] =	sst s0  }
0x9: {  	[smem:$0x3FAD] =	sst s1  }
0xa: {  	[smem:$0x3FAE] =	sst s2  }
0xb: {  	[smem:$0x3FAF] =	sst s3  }
0xc: {  	[smem:$0x3FB0] =	sst s4  }
0xd: {  	[smem:$0x3FB1] =	sst s5  }
0xe: {  	[smem:$0x3FB2] =	sst s6  }
0xf: {  	[smem:$0x3FB3] =	sst s7  }
0x10: {  	[smem:$0x3FB4] =	sst s8  }
0x11: {  	[smem:$0x3FB5] =	sst s9;
	s0 =	simm.s32 @!p0 $0x0  }
0x12: {  	s1 =	sld [smem:$0x3F9B];
	s0 =	simm.s32 @p0 $0x1  }
0x13: {  	[smem:$0x3FB6] =	sst s0;
	s0 =	simm.s32 @!p1 $0x0  }
0x14: {  	s2 =	sld [smem:$0x3F9A];
	s0 =	simm.s32 @p1 $0x1  }
0x15: {  	[smem:$0x3FB7] =	sst s0;
	s0 =	simm.s32 @!p2 $0x0  }
0x16: {  	s3 =	sld [smem:$0x3FDB];
	s0 =	simm.s32 @p2 $0x1  }
0x17: {  	s4 =	simm.s32 $0x1BF5;
	[smem:$0x3FB9] =	sst s0  }
0x18: {  	s0 =	sld [smem:$0x3F9C];
	_ =	swait.ge [sflag:s4], $0x0  }
0x19: {  	s7 =	sld [smem:$0x3F9D]  }
0x1a: {  	s8 =	sadd.s32 $0xFFFFE003, lr  }
0x1b: {  	s9 =	sadd.s32 $0xFFFFFEF7, lr;
	s5 =	simm.s32 $0xFFFFFFFF;
	p2 =	slt.u32 s8, $0xFFFFF086  }
0x1c: {  	p1 =	slt.u32 s9, $0xF7A;
	s5 =	simm.s32 @!p2 $0x0  }
0x1d: {  	s5 =	simm.s32 @p1 $0x1;
	p0 =	seq.s32 s7, s2  }
0x1e: {  	s7 =	smul.u32 @!p0 $0xF7A, s2;
	p2 =	seq.s32 @!p0 s5, $0x0  }
0x1f: {  	s9 =	smul.u32 $0xF7A, s1;
	s8 =	simm.s32 @!p0 $0x1BF5;
	p2 =	por !p2, p0  }
0x20: {  	[sflag:s8] =	ssyncset.s32 @!p0 $0xFFFFF086;
	s6 =	sadd.s32 @!p0 s3, s7;
	s7 =	simm.s32 @!p0 $0x108  }
0x21: {  	s3 =	sadd.s32 s3, s9;
	s6 =	sadd.s32 @!p0 $0x88, s6;
	s7 =	simm.s32 @p2 $0x1082  }
0x22: {  	[simem:s7], [sflag:s8] =	dma.local @!p0 [hbm:s6], $0xF7A  }
0x23: {  	s9 =	sor.u32 $0xD0000000, s2;
	s6 =	simm.s32 $0x108;
	_ =	swait.ge @!p0 [sflag:s8], $0x0  }
0x24: {  	s3 =	sadd.s32 $0x88, s3;
	s6 =	simm.s32 @!p1 $0x1082;
	[sflag:s4] =	ssyncset.s32 $0xFFFFF086  }
0x25: {  	[simem:s6], [sflag:s4] =	dma.local [hbm:s3], $0xF7A  }
0x26: {  	[smem:$0x3F9D] =	sst s1;
	(tag) =	ssettag s2;
	_ =	strace s9  }
0x27: {  	s1 =	sld [smem:$0x3FAD]  }
0x28: {  	s2 =	sld [smem:$0x3FAE]  }
0x29: {  	s4 =	sld [smem:$0x3FB0]  }
0x2a: {  	p0 =	seq.s32 s5, $0x0;
	s5 =	sld [smem:$0x3FB1]  }
0x2b: {  	s6 =	sld [smem:$0x3FB2]  }
0x2c: {  	s7 =	sld [smem:$0x3FB3]  }
0x2d: {  	s3 =	simm.s32 $0x108;
	s8 =	sld [smem:$0x3FB4]  }
0x2e: {  	s3 =	simm.s32 @!p0 $0x1082;
	s9 =	sld [smem:$0x3FB5]  }
0x2f: {  	lr =	sadd.s32 s0, s3;
	s0 =	sld [smem:$0x3FAC]  }
0x30: {  	s3 =	sld [smem:$0x3FAF]  }
0x31: {  	[smem:$0x3FB8] =	sst s10  }
0x32: {  	s10 =	sld [smem:$0x3FB6];
	_ =	sdelay $0x3  }
0x33: {  	p0 =	seq.s32 s10, $0x1;
	s10 =	sld [smem:$0x3FB8];
	_ =	sdelay $0x3  }
0x34: {  	[smem:$0x3FB8] =	sst s10  }
0x35: {  	s10 =	sld [smem:$0x3FB7];
	_ =	sdelay $0x3  }
0x36: {  	p1 =	seq.s32 s10, $0x1;
	s10 =	sld [smem:$0x3FB8];
	_ =	sdelay $0x3  }
0x37: {  	[smem:$0x3FB8] =	sst s10  }
0x38: {  	s10 =	sld [smem:$0x3FB9]  }
0x39: {  	_ = 	snop;
	(pc) =	sbr.ind lr, $3  }
0x3a: {  	_ = 	snop  }
0x3b: {  	_ = 	snop  }
0x3c: {  	p2 =	seq.s32 s10, $0x1;
	s10 =	sld [smem:$0x3FB8]  }
0x3d: {  	_ =	shalt  }
0x3e: {  	_ =	shalt  }
0x3f: {  	_ =	shalt  }
0x40: {  	_ =	shalt  }
0x41: {  	_ =	shalt  }
0x42: {  	_ =	shalt  }
0x43: {  	_ =	shalt  }
0x44: {  	_ =	shalt  }
0x45: {  	_ =	shalt  }
0x46: {  	_ =	shalt  }
0x47: {  	_ =	shalt  }
0x48: {  	_ =	shalt  }
0x49: {  	_ =	shalt  }
0x4a: {  	_ =	shalt  }
0x4b: {  	_ =	shalt  }
0x4c: {  	_ =	shalt  }
0x4d: {  	_ =	shalt  }
0x4e: {  	_ =	shalt  }
0x4f: {  	_ =	shalt  }
0x50: {  	_ =	shalt  }
0x51: {  	_ =	shalt  }
0x52: {  	_ =	shalt  }
0x53: {  	_ =	shalt  }
0x54: {  	_ =	shalt  }
0x55: {  	_ =	shalt  }
0x56: {  	_ =	shalt  }
0x57: {  	_ =	shalt  }
0x58: {  	_ =	shalt  }
0x59: {  	_ =	shalt  }
0x5a: {  	_ =	shalt  }
0x5b: {  	_ =	shalt  }
0x5c: {  	_ =	shalt  }
0x5d: {  	_ =	shalt  }
0x5e: {  	_ =	shalt  }
0x5f: {  	_ =	shalt  }
0x60: {  	_ =	shalt  }
0x61: {  	_ =	shalt  }
0x62: {  	_ =	shalt  }
0x63: {  	_ =	shalt  }
0x64: {  	_ =	shalt  }
0x65: {  	_ =	shalt  }
0x66: {  	_ =	shalt  }
0x67: {  	_ =	shalt  }
0x68: {  	_ =	shalt  }
0x69: {  	_ =	shalt  }
0x6a: {  	_ =	shalt  }
0x6b: {  	_ =	shalt  }
0x6c: {  	_ =	shalt  }
0x6d: {  	_ =	shalt  }
0x6e: {  	_ =	shalt  }
0x6f: {  	_ =	shalt  }
0x70: {  	_ =	shalt  }
0x71: {  	_ =	shalt  }
0x72: {  	_ =	shalt  }
0x73: {  	_ =	shalt  }
0x74: {  	_ =	shalt  }
0x75: {  	_ =	shalt  }
0x76: {  	_ =	shalt  }
0x77: {  	_ =	shalt  }
0x78: {  	_ =	shalt  }
0x79: {  	_ =	shalt  }
0x7a: {  	_ =	shalt  }
0x7b: {  	_ =	shalt  }
0x7c: {  	_ =	shalt  }
0x7d: {  	_ =	shalt  }
0x7e: {  	_ =	shalt  }
0x7f: {  	_ =	shalt  }
0x80: {  	_ =	shalt  }
0x81: {  	_ =	shalt  }
0x82: {  	_ =	shalt  }
0x83: {  	_ =	shalt  }
0x84: {  	_ =	shalt  }
0x85: {  	_ =	shalt  }
0x86: {  	_ =	shalt  }
0x87: {  	_ =	shalt  }
.Lfunc_end0:
.L_simem_size_0:
called_computation_lowered:
.L_overlay_start_0:
0x88: {  	s2 =	sld [smem:$0x3FD9]  }
0x89: {  	s3 =	sld [smem:$0x3FFE];
	_ =	sdelay $0x1  }
0x8a: {  	s1 =	srdreg.scid  }
0x8b: {  	s0 =	sand.u32 $0x1, s1  }
0x8c: {  	s17 =	sshll.u32 s0, $0xA;
	s2 =	sadd.s32 s3, s2  }
0x8d: {  	s2 =	sadd.s32 s2, s17  }
0x8e: {  	[smem:$0x3FC4] =	sst s2  }
0x8f: {  	_ = 	snop  }
0x90: {  	s2 =	sld [smem:$0x3FC9]  }
0x91: {  	s18 =	sld [smem:$0x3FD0];
	(tm) =	ssettm $0x1  }
0x92: {  	s4 =	sld [smem:$0x3FFB];
	_ =	sdelay $0x3  }
0x93: {  	_ =	strace s4  }
0x94: {  	s4 =	sld [smem:$0x3FFC];
	_ =	sdelay $0x3  }
0x95: {  	_ =	strace s4  }
0x96: {  	s4 =	sld [smem:$0x3FFD];
	_ =	sdelay $0x3  }
0x97: {  	_ =	strace s4  }
0x98: {  	_ =	strace $0x8FFFFFFF  }
0x99: {  	s19 =	sld [smem:$0x3FDB];
	_ =	sdelay $0x1  }
0x9a: {  	s5 =	simm.s32 $_scs_section_size  }
0x9b: {  	s6 =	simm.s32 $_size__tile_overlayer_lowered;
	s7 =	simm.s32 $_tile_overlayer_lowered  }
0x9c: {  	s22 =	simm.s32 $0x1BFF;
	s21 =	sshll.u32 s7, $0x1;
	s4 =	sadd.s32 s5, s19  }
0x9d: {  	s8 =	simm.s32 $0x0;
	s20 =	sshll.u32 s6, $0x1;
	s6 =	sadd.s32 s21, s4  }
0x9e: {  	[timem:s8], [sflag:s22] =	dma.local [hbm:s6], s20  }
0x9f: {  	_ =	swait.ge [sflag:s22], s20  }
0xa0: {  	s5 =	ssub.s32 $0x0, s20;
	[sflag:s22] =	ssyncset.done $0x0  }
0xa1: {  	[sflag:s22] =	ssyncadd.s32 s5;
	_ =	sdelay $0x1  }
0xa2: {  	s23 =	simm.s32 $0x1B8B  }
0xa3: {  	_ =	swait.ge [sflag:s23], $0x1  }
0xa4: {  	[sflag:s23] =	ssyncset.done $0x0  }
0xa5: {  	s25 =	simm.s32 $0x1B8E;
	s24 =	sld [smem:$0x3FFE];
	[sflag:s23] =	ssyncadd.s32 $0xFFFFFFFF  }
0xa6: {  	s26 =	simm.s32 $execute0_lowered;
	[smem:$0x3FD2] =	sst s25  }
0xa7: {  	s6 =	sshll.u32 s26, $0x1;
	_ =	strace $0x80000046;
	[dreg:$0x1] =	wrdreg $0xFFFFFFFF  }
0xa8: {  	s28 =	simm.s32 $_size_execute0_lowered;
	s4 =	sadd.s32 s4, s6;
	[dreg:$0x0] =	wrdreg $0x0  }
0xa9: {  	s6 =	sshll.u32 s28, $0x1;
	[dreg:$0x2] =	wrdreg s4  }
0xaa: {  	[dreg:$0x3] =	wrdreg s6  }
0xab: {  	[dreg:$0x4] =	wrdreg $0xC0  }
0xac: {  	_ =	task [dreg:s8], $0x5FFFF  }
0xad: {  	[dreg:$0x1] =	wrdreg $0xFFFFFFFF  }
0xae: {  	[dreg:$0x0] =	wrdreg $0x60  }
0xaf: {  	[dreg:$0x2] =	wrdreg s2  }
0xb0: {  	[dreg:$0x3] =	wrdreg s24  }
0xb1: {  	[dreg:$0x4] =	wrdreg s18  }
0xb2: {  	[dreg:$0x5] =	wrdreg $0x40000  }
0xb3: {  	[dreg:$0x6] =	wrdreg $0xC0000  }
0xb4: {  	[dreg:$0x7] =	wrdreg $0x9  }
0xb5: {  	_ =	task.clear_ibuf [dreg:s8], $0x8FFFF;
	_ =	strace $0x90000046  }
0xb6: {  	s29 =	simm.s32 $0x9;
	_ =	strace $0x80000048  }
0xb7: {  	_ =	swait.ge [sflag:s29], $0x1  }
0xb8: {  	[sflag:s29] =	ssyncadd.s32 $0xFFFFFFFF  }
0xb9: {  	_ =	strace $0x90000048  }
0xba: {  	_ =	sfence  }
0xbb: {  	s30 =	sld [smem:$0x0];
	_ =	sdelay $0x2  }
0xbc: {  	s31 =	sshll.u32 s1, $0xD;
	s1 =	sshrl.u32 s1, $0x2  }
0xbd: {  	s3 =	sand.u32 $0x4000, s31;
	s1 =	sadd.s32 s1, s30  }
0xbe: {  	s0 =	sor.u32 s3, s0;
	s1 =	sshll.u32 s1, $0x11  }
0xbf: {  	s0 =	sor.u32 s1, s0  }
0xc0: {  	s0 =	sadd.s32 $0x8F2B, s0  }
0xc1: {  	[sflag:s0] =	ssyncadd.remote.s32 $0x1  }
0xc2: {  	_ =	sfence.sel $0xFFFF  }
0xc3: {  	[dreg:$0x0] =	wrdreg $0xFFFFFFFF;
	(pc) =	sbr.abs _section_cstart, $3  }
0xc4: {  	[dreg:$0x1] =	wrdreg $0xFFFFFFFF  }
0xc5: {  	_ =	task.clear_ibuf [dreg:s8], $0x2FFFF;
	_ =	strace $0x9FFFFFFF  }
0xc6: {  	(tm) =	ssettm $0x7FFFFFFF  }
0xc7: {  	_ =	shalt  }
tec
execute0_lowered:
.L_overlay_start_1:
0x0: {  	(tag) =	ssettag $0x1  }
0x1: {  	s1 =	rddreg [dreg:$0x0]  }
0x2: {  	s0 =	rddreg [dreg:$0x1]  }
0x3: {  	s2 =	rddreg [dreg:$0x2]  }
0x4: {  	s3 =	rddreg [dreg:$0x3]  }
0x5: {  	s4 =	rddreg [dreg:$0x4]  }
0x6: {  	s5 =	stileid.u32;
	s8 =	simm.s32 $0x0;
	s6 =	srdreg.scid  }
0x7: {  	s18 =	simm.s32 $0x400;
	s19 =	simm.s32 $0x4000;
	s21 =	simm.s32 $0x20  }
0x8: {  	s29 =	simm.s32 $0x1B000;
	s30 =	simm.s32 $0x1;
	s31 =	simm.s32 $0x5  }
0x9: {  	s20 =	simm.s32 $0x16000;
	s7 =	sshll.u32 s5, $0x1;
	[smem:$0x7FF] =	sst s8  }
0xa: {  	s22 =	sand.u32 $0x1, s6;
	s24 =	sshrl.u32 s5, $0x3;
	s12 =	sadd.s32 $0xE00, s0  }
0xb: {  	p0 =	sne.s32 s5, $0x0;
	s5 =	simm.s32 $0x8;
	s23 =	sand.u32 $0xE, s7  }
0xc: {  	_ =	strace $0x80000047;
	s10 =	sshll.u32 s24, $0xA;
	s6 =	sshll.u32 s24, $0x18  }
0xd: {  	s8 =	ssub.s32 $0x2, s22;
	[dreg:$0x6] =	wrdreg s12;
	s24 =	simm.s32 $0x6  }
0xe: {  	s9 =	sor.u32 s22, s23;
	s10 =	sadd.s32 s10, s0;
	s0 =	sadd.s32 $0x10E00, s0  }
0xf: {  	s25 =	sshrl.u32 s8, $0x1;
	s7 =	sshll.u32 s9, $0xA;
	[dreg:$0x7] =	wrdreg s0  }
0x10: {  	s26 =	ssub.s32 s8, s25;
	s10 =	sadd.s32 $0x600, s10;
	s11 =	sor.u32 s6, s7  }
0x11: {  	[dreg:$0x9] =	wrdreg s10;
	s0 =	smax.u32 s26, $0x1;
	s11 =	sshrl.u32 s11, $0x3  }
.Ltmp0:
0x12: {  	[dreg:$0xb] =	wrdreg s0;
	s0 =	sshrl.u32 @!p0 s3, $0x3;
	(pc) =	sbr.rel .LBB2_1-.Ltmp0, $4  }
0x13: {  	s23 =	simm.s32 $0x2;
	s28 =	sadd.s32 s1, s11;
	[dreg:$0xc] =	wrdreg s0  }
0x14: {  	s22 =	simm.s32 $0x17000;
	s0 =	sshrl.u32 @!p0 s4, $0x3;
	[dreg:$0x8] =	wrdreg s28  }
0x15: {  	s13 =	sor.u32 $0x20000, s7;
	s8 =	sadd.s32 $0x2000, s28;
	[dreg:$0xd] =	wrdreg s0  }
0x16: {  	v0 =	vmov s9;
	s10 =	simm.s32 $0x0;
	s0 =	simm.s32 $0x7;
	[dreg:$0xa] =	wrdreg s8  }
.LBB2_10:
0x17: {  	s8 =	simm.s32 $0x3  }
0x18: {  	_ =	swait.ge [sflag:s8], $0x1000  }
0x19: {  	[sflag:s8] =	ssyncset.done $0x0  }
0x1a: {  	s9 =	simm.s32 $0x4;
	[sflag:s8] =	ssyncadd.s32 $0xFFFFF000  }
0x1b: {  	_ =	swait.ge [sflag:s9], $0x1000  }
0x1c: {  	s10 =	rddreg [dreg:$0xe]  }
0x1d: {  	s28 =	rddreg [dreg:$0xb];
	s10 =	sadd.s32 $0x1, s10  }
0x1e: {  	p1 =	sne.s32 s10, s28  }
.Ltmp1:
0x1f: {  	_ = 	snop;
	(pc) =	sbr.rel @!p1 .LBB2_11-.Ltmp1, $3  }
0x20: {  	_ =	sdelay $0x1  }
0x21: {  	[sflag:s9] =	ssyncset.done $0x0  }
0x22: {  	[sflag:s9] =	ssyncadd.s32 $0xFFFFF000  }
.LBB2_1:
0x23: {  	[dreg:$0xe] =	wrdreg s10  }
0x24: {  	s9 =	rddreg [dreg:$0x6]  }
0x25: {  	s8 =	simm.s32 @!p0 $0x1C09;
	s10 =	rddreg [dreg:$0xc]  }
0x26: {  	[spmem:s10], [sflag:s8] =	dma.local @!p0 [hbm:s9], $0x10000  }
0x27: {  	s9 =	simm.s32 @!p0 $0x9  }
0x28: {  	_ =	swait.ge @!p0 [sflag:s9], $0x10000  }
0x29: {  	[sflag:s9] =	ssyncset.done @!p0 $0x0;
	s10 =	rddreg [dreg:$0x7]  }
0x2a: {  	s11 =	rddreg [dreg:$0xd];
	[sflag:s9] =	ssyncadd.s32 @!p0 $0xFFFF0000  }
0x2b: {  	[spmem:s11], [sflag:s8] =	dma.local @!p0 [hbm:s10], $0x10000  }
0x2c: {  	_ =	swait.ge @!p0 [sflag:s9], $0x10000  }
0x2d: {  	s17 =	simm.s32 $0x0;
	[sflag:s9] =	ssyncset.done @!p0 $0x0  }
0x2e: {  	s26 =	simm.s32 $0x9;
	s25 =	rddreg [dreg:$0x9];
	[sflag:s9] =	ssyncadd.s32 @!p0 $0xFFFF0000  }
0x2f: {  	[tilespmem:s17], [sflag:$0x9] =	stream.linear.gather [hbm4b:s25+s17], $0x2000, $0x38;
	[tilespmem:$0x1C000] =	vst v63  }
0x30: {  	_ =	swait.ge [sflag:s26], $0x2000  }
0x31: {  	[sflag:s26] =	ssyncset.done $0x0  }
0x32: {  	s28 =	simm.s32 $0x40;
	[sflag:s26] =	ssyncadd.s32 $0xFFFFE000  }
0x33: {  	v3 =	vld [tilespmem:s28+$0x30]  }
0x34: {  	v5 =	vld [tilespmem:s28+$0xFFFFFFD0]  }
0x35: {  	v7 =	vld [tilespmem:s28+$0xFFFFFFE0]  }
0x36: {  	v4 =	vld [tilespmem:s28+$0xFFFFFFF0]  }
0x37: {  	v2 =	vld [tilespmem:s28+$0x0]  }
0x38: {  	v1 =	vld [tilespmem:s28+$0x10];
	v6 =	vshll.u32 v3, $0x4  }
0x39: {  	s8 =	simm.s32 $0x2040;
	v8 =	vshll.u32 v5, $0x4;
	v3 =	vld [tilespmem:s28+$0x20];
	v9 =	vor.u32 v0, v6  }
0x3a: {  	s10 =	simm.s32 $0xC0;
	s9 =	simm.s32 $0x0;
	v5 =	vld [tilespmem:s28+$0xFFFFFFC0];
	v7 =	vshll.u32 v7, $0x4;
	v6 =	vor.u32 v0, v8;
	[tilespmem:s8+$0x30] =	vst v9  }
.LBB2_2:
0x3b: {  	v8 =	vld [tilespmem:s10+$0x30];
	s9 =	sadd.s32 $0x8, s9;
	[tilespmem:s8+$0xFFFFFFD0] =	vst v6;
	v6 =	vor.u32 v0, v7;
	v4 =	vshll.u32 v4, $0x4  }
0x3c: {  	v7 =	vld [tilespmem:s10+$0xFFFFFFD0];
	p1 =	slt.u32 s9, $0x1F8;
	[tilespmem:s8+$0xFFFFFFE0] =	vst v6;
	v4 =	vor.u32 v0, v4;
	v2 =	vshll.u32 v2, $0x4  }
0x3d: {  	v9 =	vld [tilespmem:s10+$0xFFFFFFE0];
	[tilespmem:s8+$0xFFFFFFF0] =	vst v4;
	v2 =	vor.u32 v0, v2;
	v1 =	vshll.u32 v1, $0x4  }
.Ltmp2:
0x3e: {  	v4 =	vld [tilespmem:s10+$0xFFFFFFF0];
	[tilespmem:s8+$0x0] =	vst v2;
	v1 =	vor.u32 v0, v1;
	v3 =	vshll.u32 v3, $0x4;
	(pc) =	sbr.rel @p1 .LBB2_2-.Ltmp2, $4  }
0x3f: {  	v2 =	vld [tilespmem:s10+$0x0];
	v5 =	vshll.u32 v5, $0x4;
	[tilespmem:s8+$0x10] =	vst v1;
	v3 =	vor.u32 v0, v3  }
0x40: {  	v1 =	vld [tilespmem:s10+$0x10];
	v6 =	vshll.u32 v8, $0x4;
	v5 =	vor.u32 v0, v5;
	[tilespmem:s8+$0x20] =	vst v3  }
0x41: {  	v7 =	vshll.u32 v7, $0x4;
	v3 =	vld [tilespmem:s10+$0x20];
	v8 =	vor.u32 v0, v6;
	[tilespmem:s8+$0xFFFFFFC0] =	vst v5;
	s8 =	sadd.s32 $0x80, s8  }
0x42: {  	v5 =	vld [tilespmem:s10+$0xFFFFFFC0];
	v6 =	vor.u32 v0, v7;
	v7 =	vshll.u32 v9, $0x4;
	[tilespmem:s8+$0x30] =	vst v8;
	s10 =	sadd.s32 $0x80, s10  }
0x43: {  	[tilespmem:s8+$0xFFFFFFD0] =	vst v6;
	v63 =	vor.u32 v0, v7;
	v4 =	vshll.u32 v4, $0x4  }
0x44: {  	[tilespmem:s8+$0xFFFFFFE0] =	vst v63;
	v4 =	vor.u32 v0, v4;
	v2 =	vshll.u32 v2, $0x4  }
0x45: {  	[tilespmem:s8+$0xFFFFFFF0] =	vst v4;
	v2 =	vor.u32 v0, v2;
	v1 =	vshll.u32 v1, $0x4  }
0x46: {  	[tilespmem:s8+$0x0] =	vst v2;
	v1 =	vor.u32 v0, v1;
	v2 =	vshll.u32 v3, $0x4  }
0x47: {  	v3 =	vshll.u32 v5, $0x4;
	[tilespmem:s8+$0x10] =	vst v1;
	v1 =	vor.u32 v0, v2  }
0x48: {  	v2 =	vor.u32 v0, v3;
	[tilespmem:s8+$0x20] =	vst v1  }
0x49: {  	[tilespmem:s8+$0xFFFFFFC0] =	vst v2  }
0x4a: {  	[bflag:$0x0] =	sbarrier.arrive $0xFFFF  }
0x4b: {  	s9 =	simm.s32 $0x14000;
	s12 =	rddreg [dreg:$0x8]  }
0x4c: {  	[tilespmem:s9], [sflag:$0x1] =	stream.strided.gather [hbm4b:s12+s18], $0x1000, s19, s18, $0x38;
	[tilespmem:$0x1C000] =	vst v63  }
0x4d: {  	s14 =	simm.s32 $0x2000;
	s15 =	simm.s32 $0x18000  }
0x4e: {  	[tilespmem:s15], [sflag:$0x5] =	stream.indirect.gather [spmem:s3], $0x80, s14, s21, $0xb8;
	[tilespmem:$0x1C000] =	vst v63  }
0x4f: {  	s16 =	simm.s32 $0x1A000  }
0x50: {  	[tilespmem:s16], [sflag:$0x7] =	stream.indirect.gather [spmem:s4], $0x80, s14, s21, $0xb8;
	[tilespmem:$0x1C000] =	vst v63  }
0x51: {  	s25 =	simm.s32 $0x15000;
	s17 =	rddreg [dreg:$0xa]  }
0x52: {  	[tilespmem:s25], [sflag:$0x2] =	stream.strided.gather [hbm4b:s17+s18], $0x1000, s19, s18, $0x38;
	[tilespmem:$0x1C000] =	vst v63  }
0x53: {  	s26 =	simm.s32 $0x2020;
	s28 =	simm.s32 $0x19000  }
0x54: {  	[tilespmem:s28], [sflag:$0x6] =	stream.indirect.gather [spmem:s3], $0x80, s26, s21, $0xb8;
	[tilespmem:$0x1C000] =	vst v63  }
0x55: {  	s11 =	simm.s32 $0x0  }
0x56: {  	[tilespmem:s29], [sflag:$0x8] =	stream.indirect.gather [spmem:s4], $0x80, s26, s21, $0xb8;
	[tilespmem:$0x1C000] =	vst v63  }
.LBB2_4:
0x57: {  	_ =	swait.ge [sflag:s30], $0x1000  }
0x58: {  	[sflag:s30] =	ssyncset.done $0x0  }
0x59: {  	[sflag:s30] =	ssyncadd.s32 $0xFFFFF000  }
0x5a: {  	_ =	swait.ge [sflag:s31], $0x1000  }
0x5b: {  	[sflag:s31] =	ssyncset.done $0x0  }
0x5c: {  	[sflag:s31] =	ssyncadd.s32 $0xFFFFF000  }
0x5d: {  	_ =	swait.ge [sflag:s0], $0x1000  }
0x5e: {  	p1 =	seq.s32 s11, $0x0;
	[sflag:s0] =	ssyncset.done $0x0  }
0x5f: {  	s8 =	simm.s32 @!p1 $0x3;
	[sflag:s0] =	ssyncadd.s32 $0xFFFFF000  }
0x60: {  	_ =	swait.ge @!p1 [sflag:s8], $0x1000  }
0x61: {  	[sflag:s8] =	ssyncset.done @!p1 $0x0  }
0x62: {  	s12 =	simm.s32 $0x18100;
	[sflag:s8] =	ssyncadd.s32 @!p1 $0xFFFFF000  }
0x63: {  	s9 =	simm.s32 $0x14100;
	v1 =	vld [tilespmem:s12+$0x80]  }
0x64: {  	s8 =	simm.s32 $0x1A100;
	v2 =	vld [tilespmem:s9+$0x80]  }
0x65: {  	v3 =	vld [tilespmem:s8+$0x80]  }
0x66: {  	v4 =	vld [tilespmem:s9+$0xFFFFFF00]  }
0x67: {  	v5 =	vld [tilespmem:s12+$0xFFFFFF80]  }
0x68: {  	v6 =	vld [tilespmem:s12+$0xFFFFFF00]  }
0x69: {  	v7 =	vld [tilespmem:s8+$0xFFFFFF00];
	v1 =	vmul.f32 v2, v1  }
0x6a: {  	v8 =	vld [tilespmem:s8+$0xFFFFFF80]  }
0x6b: {  	s10 =	simm.s32 $0x18300;
	v9 =	vld [tilespmem:s9+$0x0];
	v1 =	vadd.f32 v3, v1  }
0x6c: {  	s15 =	simm.s32 $0x16100;
	s17 =	simm.s32 $0x14300;
	v13 =	vld [tilespmem:s10+$0x80]  }
0x6d: {  	v14 =	vld [tilespmem:s17+$0x80];
	[tilespmem:s15+$0x80] =	vst v1  }
0x6e: {  	v1 =	vld [tilespmem:s12+$0x90]  }
0x6f: {  	v2 =	vld [tilespmem:s9+$0x90]  }
0x70: {  	v15 =	vld [tilespmem:s17+$0xFFFFFF00]  }
0x71: {  	s26 =	simm.s32 $0x1A300;
	v3 =	vld [tilespmem:s8+$0x90]  }
0x72: {  	v16 =	vld [tilespmem:s26+$0x80]  }
0x73: {  	v17 =	vld [tilespmem:s10+$0xFFFFFF80]  }
0x74: {  	v18 =	vld [tilespmem:s17+$0xFFFFFF80];
	v1 =	vmul.f32 v2, v1  }
0x75: {  	v19 =	vld [tilespmem:s10+$0x0]  }
0x76: {  	v2 =	vld [tilespmem:s9+$0xFFFFFF80];
	v1 =	vadd.f32 v3, v1  }
0x77: {  	v57 =	vld [tilespmem:s17+$0x0]  }
0x78: {  	v20 =	vld [tilespmem:s10+$0xFFFFFF00];
	[tilespmem:s15+$0x90] =	vst v1  }
0x79: {  	v1 =	vmul.f32 v4, v6;
	v4 =	vld [tilespmem:s12+$0xA0]  }
0x7a: {  	v6 =	vld [tilespmem:s9+$0xA0]  }
0x7b: {  	v3 =	vld [tilespmem:s12+$0x0];
	v2 =	vmul.f32 v2, v5;
	v1 =	vadd.f32 v7, v1  }
0x7c: {  	v5 =	vld [tilespmem:s8+$0xA0]  }
0x7d: {  	v7 =	vld [tilespmem:s8+$0x0];
	v2 =	vadd.f32 v8, v2;
	[tilespmem:s15+$0xFFFFFF00] =	vst v1  }
0x7e: {  	v1 =	vld [tilespmem:s12+$0xFFFFFF10]  }
0x7f: {  	[tilespmem:s15+$0xFFFFFF80] =	vst v2;
	v2 =	vld [tilespmem:s9+$0xFFFFFF10];
	v4 =	vmul.f32 v6, v4  }
0x80: {  	v6 =	vld [tilespmem:s12+$0xFFFFFF90]  }
0x81: {  	v8 =	vld [tilespmem:s9+$0xFFFFFF90];
	v4 =	vadd.f32 v5, v4  }
0x82: {  	v3 =	vmul.f32 v9, v3;
	v9 =	vld [tilespmem:s8+$0xFFFFFF90]  }
0x83: {  	v5 =	vld [tilespmem:s8+$0xFFFFFF10];
	[tilespmem:s15+$0xA0] =	vst v4  }
0x84: {  	v4 =	vld [tilespmem:s12+$0xB0]  }
0x85: {  	v3 =	vadd.f32 v7, v3;
	v7 =	vld [tilespmem:s9+$0xB0]  }
0x86: {  	v58 =	vld [tilespmem:s26+$0xFFFFFF00];
	v1 =	vmul.f32 v2, v1  }
0x87: {  	[tilespmem:s15+$0x0] =	vst v3;
	v2 =	vld [tilespmem:s8+$0xB0]  }
0x88: {  	v3 =	vld [tilespmem:s12+$0x10];
	v6 =	vmul.f32 v8, v6;
	v1 =	vadd.f32 v5, v1  }
0x89: {  	v8 =	vld [tilespmem:s8+$0x10]  }
0x8a: {  	v5 =	vld [tilespmem:s9+$0x10];
	v6 =	vadd.f32 v9, v6;
	[tilespmem:s15+$0xFFFFFF10] =	vst v1;
	v1 =	vmul.f32 v7, v4  }
0x8b: {  	v4 =	vld [tilespmem:s12+$0xFFFFFF20]  }
0x8c: {  	[tilespmem:s15+$0xFFFFFF90] =	vst v6;
	v6 =	vld [tilespmem:s9+$0xFFFFFF20];
	v1 =	vadd.f32 v2, v1  }
0x8d: {  	v7 =	vld [tilespmem:s8+$0xFFFFFF20]  }
0x8e: {  	v9 =	vld [tilespmem:s9+$0xFFFFFFA0];
	[tilespmem:s15+$0xB0] =	vst v1  }
0x8f: {  	v1 =	vld [tilespmem:s12+$0xC0]  }
0x90: {  	v3 =	vmul.f32 v5, v3;
	v5 =	vld [tilespmem:s9+$0xC0]  }
0x91: {  	v2 =	vld [tilespmem:s12+$0xFFFFFFA0]  }
0x92: {  	v3 =	vadd.f32 v8, v3;
	v8 =	vld [tilespmem:s8+$0xC0]  }
0x93: {  	v59 =	vld [tilespmem:s26+$0x0];
	v4 =	vmul.f32 v6, v4  }
0x94: {  	[tilespmem:s15+$0x10] =	vst v3;
	v3 =	vld [tilespmem:s8+$0xFFFFFFA0]  }
0x95: {  	v6 =	vld [tilespmem:s12+$0x20];
	v4 =	vadd.f32 v7, v4;
	v1 =	vmul.f32 v5, v1  }
0x96: {  	v5 =	vld [tilespmem:s9+$0x20]  }
0x97: {  	v2 =	vmul.f32 v9, v2;
	v7 =	vld [tilespmem:s8+$0x20];
	[tilespmem:s15+$0xFFFFFF20] =	vst v4;
	v1 =	vadd.f32 v8, v1  }
0x98: {  	v4 =	vld [tilespmem:s12+$0xFFFFFF30]  }
0x99: {  	v2 =	vadd.f32 v3, v2;
	v3 =	vld [tilespmem:s9+$0xFFFFFF30];
	[tilespmem:s15+$0xC0] =	vst v1  }
0x9a: {  	v1 =	vld [tilespmem:s12+$0xD0]  }
0x9b: {  	[tilespmem:s15+$0xFFFFFFA0] =	vst v2;
	v5 =	vmul.f32 v5, v6;
	v2 =	vld [tilespmem:s9+$0xD0]  }
0x9c: {  	v8 =	vld [tilespmem:s9+$0xFFFFFFB0]  }
0x9d: {  	v5 =	vadd.f32 v7, v5;
	v7 =	vld [tilespmem:s8+$0xD0]  }
0x9e: {  	v13 =	vmul.f32 v14, v13;
	v6 =	vld [tilespmem:s12+$0xFFFFFFB0]  }
0x9f: {  	v3 =	vmul.f32 v3, v4;
	v4 =	vld [tilespmem:s8+$0xFFFFFFB0]  }
0xa0: {  	v13 =	vadd.f32 v16, v13;
	[tilespmem:s15+$0x20] =	vst v5;
	v5 =	vld [tilespmem:s8+$0xFFFFFF30];
	v1 =	vmul.f32 v2, v1  }
0xa1: {  	s16 =	simm.s32 $0x16300;
	v9 =	vld [tilespmem:s12+$0x30]  }
0xa2: {  	[tilespmem:s16+$0x80] =	vst v13;
	v2 =	vld [tilespmem:s9+$0x30];
	v1 =	vadd.f32 v7, v1  }
0xa3: {  	v13 =	vld [tilespmem:s10+$0x90]  }
0xa4: {  	v7 =	vld [tilespmem:s8+$0x30];
	[tilespmem:s15+$0xD0] =	vst v1  }
0xa5: {  	v3 =	vadd.f32 v5, v3;
	v1 =	vmul.f32 v8, v6;
	v5 =	vld [tilespmem:s12+$0xE0]  }
0xa6: {  	v6 =	vld [tilespmem:s8+$0xE0]  }
0xa7: {  	v2 =	vmul.f32 v2, v9;
	[tilespmem:s15+$0xFFFFFF30] =	vst v3;
	v3 =	vld [tilespmem:s9+$0xE0];
	v1 =	vadd.f32 v4, v1  }
0xa8: {  	v4 =	vld [tilespmem:s12+$0xFFFFFF40]  }
0xa9: {  	v2 =	vadd.f32 v7, v2;
	[tilespmem:s15+$0xFFFFFFB0] =	vst v1;
	v1 =	vld [tilespmem:s9+$0xFFFFFF40]  }
0xaa: {  	v7 =	vld [tilespmem:s12+$0xFFFFFFC0]  }
0xab: {  	[tilespmem:s15+$0x30] =	vst v2;
	v2 =	vld [tilespmem:s9+$0xFFFFFFC0]  }
0xac: {  	v3 =	vmul.f32 v3, v5;
	v5 =	vld [tilespmem:s8+$0xFFFFFF40]  }
0xad: {  	v8 =	vld [tilespmem:s12+$0x40]  }
0xae: {  	v9 =	vld [tilespmem:s9+$0x40];
	v3 =	vadd.f32 v6, v3  }
0xaf: {  	v6 =	vld [tilespmem:s8+$0xFFFFFFC0];
	v4 =	vmul.f32 v1, v4  }
0xb0: {  	v10 =	vld [tilespmem:s8+$0x40];
	[tilespmem:s15+$0xE0] =	vst v3  }
0xb1: {  	v1 =	vld [tilespmem:s12+$0xF0];
	v4 =	vadd.f32 v5, v4  }
0xb2: {  	v7 =	vmul.f32 v2, v7;
	v3 =	vld [tilespmem:s9+$0xF0]  }
0xb3: {  	v5 =	vmul.f32 v9, v8;
	v2 =	vld [tilespmem:s8+$0xF0];
	[tilespmem:s15+$0xFFFFFF40] =	vst v4  }
0xb4: {  	v6 =	vadd.f32 v6, v7;
	v4 =	vld [tilespmem:s12+$0xFFFFFF50]  }
0xb5: {  	v5 =	vadd.f32 v10, v5;
	v10 =	vld [tilespmem:s8+$0xFFFFFF50]  }
0xb6: {  	[tilespmem:s15+$0xFFFFFFC0] =	vst v6;
	v6 =	vld [tilespmem:s9+$0xFFFFFF50]  }
0xb7: {  	v7 =	vld [tilespmem:s12+$0xFFFFFFD0]  }
0xb8: {  	[tilespmem:s15+$0x40] =	vst v5;
	v8 =	vld [tilespmem:s9+$0xFFFFFFD0]  }
0xb9: {  	v5 =	vld [tilespmem:s12+$0x50]  }
0xba: {  	v11 =	vld [tilespmem:s8+$0xFFFFFFD0]  }
0xbb: {  	v9 =	vld [tilespmem:s9+$0x50];
	v4 =	vmul.f32 v6, v4  }
0xbc: {  	v12 =	vld [tilespmem:s8+$0x50]  }
0xbd: {  	v6 =	vld [tilespmem:s26+$0xFFFFFF80];
	v7 =	vmul.f32 v8, v7;
	v4 =	vadd.f32 v10, v4  }
0xbe: {  	v8 =	vld [tilespmem:s17+$0x90]  }
0xbf: {  	v10 =	vmul.f32 v15, v20;
	v7 =	vadd.f32 v11, v7;
	[tilespmem:s15+$0xFFFFFF50] =	vst v4;
	v4 =	vld [tilespmem:s26+$0x90]  }
0xc0: {  	v60 =	vld [tilespmem:s12+$0xFFFFFF60]  }
0xc1: {  	v11 =	vmul.f32 v18, v17;
	v10 =	vadd.f32 v58, v10;
	[tilespmem:s15+$0xFFFFFFD0] =	vst v7;
	v7 =	vld [tilespmem:s9+$0xFFFFFF60]  }
0xc2: {  	v37 =	vld [tilespmem:s8+$0xFFFFFF60]  }
0xc3: {  	v6 =	vadd.f32 v6, v11;
	[tilespmem:s16+$0xFFFFFF00] =	vst v10;
	v10 =	vld [tilespmem:s12+$0xFFFFFFE0]  }
0xc4: {  	v11 =	vld [tilespmem:s10+$0xFFFFFF10]  }
0xc5: {  	v61 =	vmul.f32 v57, v19;
	[tilespmem:s16+$0xFFFFFF80] =	vst v6;
	v6 =	vld [tilespmem:s17+$0xFFFFFF10]  }
0xc6: {  	v23 =	vld [tilespmem:s26+$0xFFFFFF10]  }
0xc7: {  	v8 =	vmul.f32 v8, v13;
	v13 =	vadd.f32 v59, v61;
	v62 =	vld [tilespmem:s17+$0xFFFFFF90]  }
0xc8: {  	v24 =	vld [tilespmem:s26+$0xFFFFFF90]  }
0xc9: {  	[tilespmem:s16+$0x0] =	vst v13;
	v4 =	vadd.f32 v4, v8;
	v8 =	vld [tilespmem:s10+$0xFFFFFF90]  }
0xca: {  	v5 =	vmul.f32 v9, v5;
	v21 =	vld [tilespmem:s10+$0x10]  }
0xcb: {  	v9 =	vld [tilespmem:s17+$0x10];
	[tilespmem:s16+$0x90] =	vst v4  }
0xcc: {  	v5 =	vadd.f32 v12, v5;
	v4 =	vld [tilespmem:s10+$0xA0]  }
0xcd: {  	v7 =	vmul.f32 v7, v60;
	v63 =	vld [tilespmem:s17+$0xA0]  }
0xce: {  	[tilespmem:s15+$0x50] =	vst v5;
	v25 =	vld [tilespmem:s26+$0x10];
	v5 =	vmul.f32 v6, v11  }
0xcf: {  	v22 =	vld [tilespmem:s26+$0xA0];
	v7 =	vadd.f32 v37, v7  }
0xd0: {  	v6 =	vld [tilespmem:s9+$0xFFFFFFE0];
	v5 =	vadd.f32 v23, v5  }
0xd1: {  	v11 =	vld [tilespmem:s12+$0x60];
	v8 =	vmul.f32 v62, v8;
	[tilespmem:s15+$0xFFFFFF60] =	vst v7  }
0xd2: {  	v7 =	vld [tilespmem:s8+$0x60];
	[tilespmem:s16+$0xFFFFFF10] =	vst v5;
	v4 =	vmul.f32 v63, v4  }
0xd3: {  	v8 =	vadd.f32 v24, v8;
	v27 =	vld [tilespmem:s10+$0xFFFFFF20]  }
0xd4: {  	v32 =	vld [tilespmem:s26+$0xFFFFFF20];
	v4 =	vadd.f32 v22, v4  }
0xd5: {  	v9 =	vmul.f32 v9, v21;
	[tilespmem:s16+$0xFFFFFF90] =	vst v8;
	v8 =	vld [tilespmem:s17+$0xFFFFFF20]  }
0xd6: {  	v29 =	vld [tilespmem:s10+$0xFFFFFFA0];
	[tilespmem:s16+$0xA0] =	vst v4  }
0xd7: {  	v9 =	vadd.f32 v25, v9;
	v26 =	vld [tilespmem:s10+$0xB0]  }
0xd8: {  	v5 =	vld [tilespmem:s17+$0xB0]  }
0xd9: {  	[tilespmem:s16+$0x10] =	vst v9;
	v9 =	vld [tilespmem:s17+$0xFFFFFFA0]  }
0xda: {  	v28 =	vld [tilespmem:s26+$0xB0]  }
0xdb: {  	v30 =	vld [tilespmem:s10+$0x20]  }
0xdc: {  	v31 =	vld [tilespmem:s17+$0x20];
	v8 =	vmul.f32 v8, v27  }
0xdd: {  	v33 =	vld [tilespmem:s26+$0xFFFFFFA0];
	v5 =	vmul.f32 v5, v26  }
0xde: {  	v35 =	vld [tilespmem:s26+$0x20];
	v8 =	vadd.f32 v32, v8  }
0xdf: {  	v4 =	vld [tilespmem:s9+$0x60];
	v5 =	vadd.f32 v28, v5  }
0xe0: {  	v9 =	vmul.f32 v9, v29;
	[tilespmem:s16+$0xFFFFFF20] =	vst v8;
	v8 =	vld [tilespmem:s8+$0xFFFFFFE0]  }
0xe1: {  	v38 =	vld [tilespmem:s10+$0xFFFFFF30];
	[tilespmem:s16+$0xB0] =	vst v5  }
0xe2: {  	v9 =	vadd.f32 v33, v9;
	v5 =	vld [tilespmem:s10+$0xC0]  }
0xe3: {  	v34 =	vld [tilespmem:s17+$0xC0]  }
0xe4: {  	v14 =	vmul.f32 v31, v30;
	[tilespmem:s16+$0xFFFFFFA0] =	vst v9;
	v9 =	vld [tilespmem:s17+$0xFFFFFF30]  }
0xe5: {  	v36 =	vld [tilespmem:s26+$0xC0]  }
0xe6: {  	v39 =	vadd.f32 v35, v14;
	v45 =	vld [tilespmem:s26+$0xFFFFFF30]  }
0xe7: {  	v40 =	vld [tilespmem:s10+$0xFFFFFFB0]  }
0xe8: {  	[tilespmem:s16+$0x20] =	vst v39;
	v41 =	vld [tilespmem:s17+$0xFFFFFFB0];
	v5 =	vmul.f32 v34, v5  }
0xe9: {  	v12 =	vld [tilespmem:s10+$0x30]  }
0xea: {  	v4 =	vmul.f32 v4, v11;
	v43 =	vld [tilespmem:s17+$0x30];
	v5 =	vadd.f32 v36, v5  }
0xeb: {  	v6 =	vmul.f32 v6, v10;
	v10 =	vld [tilespmem:s26+$0xFFFFFFB0]  }
0xec: {  	v4 =	vadd.f32 v7, v4;
	v46 =	vld [tilespmem:s26+$0x30];
	[tilespmem:s16+$0xC0] =	vst v5  }
0xed: {  	v5 =	vld [tilespmem:s10+$0xD0]  }
0xee: {  	[tilespmem:s15+$0x60] =	vst v4;
	v42 =	vld [tilespmem:s17+$0xD0]  }
0xef: {  	v4 =	vld [tilespmem:s12+$0x70];
	v6 =	vadd.f32 v8, v6;
	v8 =	vmul.f32 v9, v38  }
0xf0: {  	v12 =	vmul.f32 v43, v12;
	v44 =	vld [tilespmem:s26+$0xD0]  }
0xf1: {  	v9 =	vld [tilespmem:s12+$0xFFFFFF70];
	v8 =	vadd.f32 v45, v8  }
0xf2: {  	[tilespmem:s15+$0xFFFFFFE0] =	vst v6;
	v6 =	vld [tilespmem:s9+$0xFFFFFF70];
	v12 =	vadd.f32 v46, v12  }
0xf3: {  	v47 =	vld [tilespmem:s12+$0xFFFFFFF0];
	[tilespmem:s16+$0xFFFFFF30] =	vst v8;
	v5 =	vmul.f32 v42, v5  }
0xf4: {  	[tilespmem:s16+$0x30] =	vst v12;
	v54 =	vld [tilespmem:s26+$0xFFFFFF40]  }
0xf5: {  	v52 =	vld [tilespmem:s10+$0x40];
	v5 =	vadd.f32 v44, v5  }
0xf6: {  	v53 =	vld [tilespmem:s17+$0x40]  }
0xf7: {  	v7 =	vld [tilespmem:s26+$0x40];
	[tilespmem:s16+$0xD0] =	vst v5  }
0xf8: {  	v5 =	vmul.f32 v41, v40;
	v48 =	vld [tilespmem:s10+$0xE0]  }
0xf9: {  	v8 =	vld [tilespmem:s17+$0xE0]  }
0xfa: {  	v49 =	vld [tilespmem:s26+$0xE0];
	v5 =	vadd.f32 v10, v5  }
0xfb: {  	v10 =	vld [tilespmem:s10+$0xFFFFFF40]  }
0xfc: {  	v13 =	vmul.f32 v53, v52;
	[tilespmem:s16+$0xFFFFFFB0] =	vst v5;
	v5 =	vld [tilespmem:s17+$0xFFFFFF40]  }
0xfd: {  	v50 =	vld [tilespmem:s10+$0xFFFFFFC0]  }
0xfe: {  	v7 =	vadd.f32 v7, v13;
	v51 =	vld [tilespmem:s17+$0xFFFFFFC0];
	v8 =	vmul.f32 v8, v48  }
0xff: {  	v57 =	vld [tilespmem:s9+$0xFFFFFFF0]  }
0x100: {  	[tilespmem:s16+$0x40] =	vst v7;
	v55 =	vld [tilespmem:s26+$0xFFFFFFC0];
	v8 =	vadd.f32 v49, v8  }
0x101: {  	v7 =	vld [tilespmem:s10+$0x50];
	v5 =	vmul.f32 v5, v10  }
0x102: {  	v60 =	vld [tilespmem:s17+$0x50];
	[tilespmem:s16+$0xE0] =	vst v8  }
0x103: {  	v11 =	vmul.f32 v51, v50;
	v8 =	vld [tilespmem:s10+$0xF0];
	v5 =	vadd.f32 v54, v5  }
0x104: {  	v10 =	vld [tilespmem:s17+$0xF0]  }
0x105: {  	v56 =	vld [tilespmem:s26+$0xF0];
	v11 =	vadd.f32 v55, v11;
	[tilespmem:s16+$0xFFFFFF40] =	vst v5  }
0x106: {  	v5 =	vld [tilespmem:s10+$0xFFFFFF50]  }
0x107: {  	[tilespmem:s16+$0xFFFFFFC0] =	vst v11;
	v11 =	vld [tilespmem:s17+$0xFFFFFF50]  }
0x108: {  	v58 =	vld [tilespmem:s10+$0xFFFFFFD0]  }
0x109: {  	v59 =	vld [tilespmem:s17+$0xFFFFFFD0]  }
0x10a: {  	v61 =	vld [tilespmem:s26+$0xFFFFFF50]  }
0x10b: {  	v1 =	vmul.f32 v3, v1;
	v62 =	vld [tilespmem:s26+$0xFFFFFFD0]  }
0x10c: {  	v10 =	vmul.f32 v10, v8;
	v8 =	vld [tilespmem:s26+$0x50]  }
0x10d: {  	v1 =	vadd.f32 v2, v1;
	v3 =	vld [tilespmem:s9+$0x70];
	v11 =	vmul.f32 v11, v5  }
0x10e: {  	s25 =	sshll.u32 s11, $0x11;
	v10 =	vadd.f32 v56, v10;
	v5 =	vld [tilespmem:s8+$0xFFFFFF70];
	v63 =	vmul.f32 v59, v58  }
0x10f: {  	s28 =	simm.s32 $0x18500;
	s14 =	sor.u32 s6, s25;
	s25 =	simm.s32 $0x4;
	[tilespmem:s15+$0xF0] =	vst v1;
	v1 =	vmul.f32 v6, v9;
	v6 =	vld [tilespmem:s8+$0xFFFFFFF0];
	v9 =	vmul.f32 v60, v7;
	v11 =	vadd.f32 v61, v11  }
0x110: {  	s12 =	sshll.u32 s11, $0x8;
	s9 =	simm.s32 $0x14300;
	v2 =	vmul.f32 v57, v47;
	v7 =	vld [tilespmem:s8+$0x70];
	s8 =	simm.s32 $0x1A300;
	[tilespmem:s16+$0xF0] =	vst v10;
	v10 =	vadd.f32 v62, v63  }
.LBB2_5:
0x111: {  	v12 =	vld [tilespmem:s28+$0x80];
	[tilespmem:s16+$0xFFFFFF50] =	vst v11;
	v8 =	vadd.f32 v8, v9;
	s17 =	sadd.s32 $0x200, s17  }
0x112: {  	v9 =	vld [tilespmem:s17+$0x80];
	[tilespmem:s16+$0xFFFFFFD0] =	vst v10;
	v3 =	vmul.f32 v3, v4  }
0x113: {  	s26 =	sadd.s32 $0x200, s26;
	v4 =	vld [tilespmem:s17+$0xFFFFFF00];
	[tilespmem:s16+$0x50] =	vst v8;
	v1 =	vadd.f32 v5, v1  }
0x114: {  	v5 =	vld [tilespmem:s26+$0x80];
	v2 =	vadd.f32 v6, v2  }
0x115: {  	v6 =	vld [tilespmem:s28+$0xFFFFFF80];
	[tilespmem:s15+$0xFFFFFF70] =	vst v1;
	v1 =	vadd.f32 v7, v3  }
0x116: {  	v3 =	vld [tilespmem:s17+$0xFFFFFF80];
	[tilespmem:s15+$0xFFFFFFF0] =	vst v2  }
0x117: {  	v2 =	vld [tilespmem:s28+$0x0];
	v7 =	vmul.f32 v9, v12;
	[tilespmem:s15+$0x70] =	vst v1;
	s15 =	smov.u32 s16  }
0x118: {  	v1 =	vld [tilespmem:s17+$0x0]  }
0x119: {  	s25 =	sadd.s32 $0x4, s25;
	v8 =	vld [tilespmem:s28+$0xFFFFFF00];
	v5 =	vadd.f32 v5, v7  }
0x11a: {  	p2 =	slt.u32 s25, $0x1C;
	s16 =	sadd.s32 $0x200, s16;
	v7 =	vld [tilespmem:s26+$0xFFFFFF00]  }
0x11b: {  	v3 =	vmul.f32 v3, v6;
	v6 =	vld [tilespmem:s26+$0xFFFFFF80];
	[tilespmem:s16+$0x80] =	vst v5  }
0x11c: {  	v5 =	vld [tilespmem:s28+$0x90]  }
0x11d: {  	v1 =	vmul.f32 v1, v2;
	v2 =	vld [tilespmem:s17+$0x90]  }
0x11e: {  	v4 =	vmul.f32 v4, v8;
	v8 =	vld [tilespmem:s26+$0x0]  }
0x11f: {  	v9 =	vld [tilespmem:s26+$0x90]  }
0x120: {  	v4 =	vadd.f32 v7, v4;
	v3 =	vadd.f32 v6, v3;
	v6 =	vld [tilespmem:s10+$0xFFFFFF60]  }
0x121: {  	v7 =	vld [tilespmem:s9+$0xFFFFFF60]  }
0x122: {  	[tilespmem:s16+$0xFFFFFF00] =	vst v4;
	v2 =	vmul.f32 v2, v5;
	v4 =	vld [tilespmem:s10+$0xFFFFFFE0]  }
0x123: {  	v5 =	vld [tilespmem:s28+$0xFFFFFF10];
	[tilespmem:s16+$0xFFFFFF80] =	vst v3;
	v1 =	vadd.f32 v8, v1  }
0x124: {  	v3 =	vld [tilespmem:s17+$0xFFFFFF10];
	v2 =	vadd.f32 v9, v2  }
0x125: {  	v8 =	vld [tilespmem:s28+$0xFFFFFF90];
	[tilespmem:s16+$0x0] =	vst v1  }
0x126: {  	v1 =	vld [tilespmem:s17+$0xFFFFFF90];
	[tilespmem:s16+$0x90] =	vst v2;
	v2 =	vmul.f32 v7, v6  }
0x127: {  	v6 =	vld [tilespmem:s28+$0xA0]  }
0x128: {  	v7 =	vld [tilespmem:s17+$0xA0]  }
0x129: {  	v3 =	vmul.f32 v3, v5;
	v5 =	vld [tilespmem:s28+$0x10]  }
0x12a: {  	v9 =	vld [tilespmem:s26+$0xA0]  }
0x12b: {  	v1 =	vmul.f32 v1, v8;
	v8 =	vld [tilespmem:s17+$0x10]  }
0x12c: {  	v10 =	vld [tilespmem:s26+$0xFFFFFF10]  }
0x12d: {  	v11 =	vld [tilespmem:s26+$0xFFFFFF90];
	v6 =	vmul.f32 v7, v6  }
0x12e: {  	v7 =	vld [tilespmem:s26+$0x10]  }
0x12f: {  	v6 =	vadd.f32 v9, v6;
	v9 =	vld [tilespmem:s9+$0xFFFFFFE0]  }
0x130: {  	v5 =	vmul.f32 v8, v5;
	v8 =	vld [tilespmem:s10+$0x60]  }
0x131: {  	v3 =	vadd.f32 v10, v3;
	[tilespmem:s16+$0xA0] =	vst v6;
	v6 =	vld [tilespmem:s9+$0x60]  }
0x132: {  	v1 =	vadd.f32 v11, v1;
	v10 =	vld [tilespmem:s28+$0xB0]  }
0x133: {  	[tilespmem:s16+$0xFFFFFF10] =	vst v3;
	v3 =	vadd.f32 v7, v5;
	v5 =	vld [tilespmem:s17+$0xB0]  }
0x134: {  	v7 =	vld [tilespmem:s28+$0xFFFFFF20];
	[tilespmem:s16+$0xFFFFFF90] =	vst v1;
	v1 =	vmul.f32 v9, v4  }
0x135: {  	[tilespmem:s16+$0x10] =	vst v3;
	v3 =	vld [tilespmem:s26+$0xB0]  }
0x136: {  	v4 =	vld [tilespmem:s17+$0xFFFFFF20];
	v6 =	vmul.f32 v6, v8  }
0x137: {  	v8 =	vld [tilespmem:s28+$0xFFFFFFA0]  }
0x138: {  	v9 =	vld [tilespmem:s17+$0xFFFFFFA0];
	v5 =	vmul.f32 v5, v10  }
0x139: {  	v10 =	vld [tilespmem:s28+$0x20]  }
0x13a: {  	v11 =	vld [tilespmem:s17+$0x20];
	v3 =	vadd.f32 v3, v5  }
0x13b: {  	v4 =	vmul.f32 v4, v7;
	v5 =	vld [tilespmem:s26+$0xFFFFFF20]  }
0x13c: {  	v7 =	vld [tilespmem:s26+$0xFFFFFFA0];
	[tilespmem:s16+$0xB0] =	vst v3  }
0x13d: {  	v3 =	vmul.f32 v9, v8;
	v8 =	vld [tilespmem:s28+$0xC0]  }
0x13e: {  	v9 =	vld [tilespmem:s17+$0xC0]  }
0x13f: {  	v10 =	vmul.f32 v11, v10;
	v11 =	vld [tilespmem:s26+$0x20]  }
0x140: {  	v4 =	vadd.f32 v5, v4;
	v5 =	vld [tilespmem:s26+$0xC0]  }
0x141: {  	v3 =	vadd.f32 v7, v3;
	v7 =	vld [tilespmem:s8+$0xFFFFFF60]  }
0x142: {  	[tilespmem:s16+$0xFFFFFF20] =	vst v4;
	v4 =	vld [tilespmem:s8+$0xFFFFFFE0]  }
0x143: {  	v12 =	vld [tilespmem:s28+$0xFFFFFF30];
	[tilespmem:s16+$0xFFFFFFA0] =	vst v3;
	v3 =	vmul.f32 v9, v8  }
0x144: {  	v8 =	vld [tilespmem:s17+$0xFFFFFF30];
	v9 =	vadd.f32 v11, v10  }
0x145: {  	v10 =	vld [tilespmem:s28+$0xFFFFFFB0];
	v3 =	vadd.f32 v5, v3  }
0x146: {  	v5 =	vld [tilespmem:s17+$0xFFFFFFB0];
	[tilespmem:s16+$0x20] =	vst v9;
	v2 =	vadd.f32 v7, v2  }
0x147: {  	v7 =	vld [tilespmem:s28+$0x30];
	[tilespmem:s16+$0xC0] =	vst v3;
	v1 =	vadd.f32 v4, v1  }
0x148: {  	v3 =	vld [tilespmem:s28+$0xD0];
	[tilespmem:s15+$0xFFFFFF60] =	vst v2  }
0x149: {  	v2 =	vmul.f32 v8, v12;
	v4 =	vld [tilespmem:s17+$0xD0];
	[tilespmem:s15+$0xFFFFFFE0] =	vst v1  }
0x14a: {  	v1 =	vld [tilespmem:s17+$0x30]  }
0x14b: {  	v5 =	vmul.f32 v5, v10;
	v8 =	vld [tilespmem:s26+$0xD0]  }
0x14c: {  	v9 =	vld [tilespmem:s26+$0xFFFFFF30]  }
0x14d: {  	v10 =	vld [tilespmem:s26+$0xFFFFFFB0]  }
0x14e: {  	v11 =	vld [tilespmem:s26+$0x30];
	v3 =	vmul.f32 v4, v3  }
0x14f: {  	v1 =	vmul.f32 v1, v7;
	v4 =	vld [tilespmem:s8+$0x60]  }
0x150: {  	v3 =	vadd.f32 v8, v3;
	v7 =	vld [tilespmem:s10+$0xFFFFFF70]  }
0x151: {  	v2 =	vadd.f32 v9, v2;
	v8 =	vld [tilespmem:s9+$0xFFFFFF70]  }
0x152: {  	v5 =	vadd.f32 v10, v5;
	[tilespmem:s16+$0xD0] =	vst v3;
	v3 =	vld [tilespmem:s10+$0xFFFFFFF0]  }
0x153: {  	[tilespmem:s16+$0xFFFFFF30] =	vst v2;
	v1 =	vadd.f32 v11, v1;
	v2 =	vld [tilespmem:s28+$0xE0]  }
0x154: {  	[tilespmem:s16+$0xFFFFFFB0] =	vst v5;
	v5 =	vld [tilespmem:s17+$0xE0];
	v4 =	vadd.f32 v4, v6  }
0x155: {  	v6 =	vld [tilespmem:s28+$0xFFFFFF40];
	[tilespmem:s16+$0x30] =	vst v1  }
0x156: {  	v9 =	vld [tilespmem:s26+$0xE0];
	v1 =	vmul.f32 v8, v7;
	[tilespmem:s15+$0x60] =	vst v4  }
0x157: {  	v4 =	vld [tilespmem:s17+$0xFFFFFF40]  }
0x158: {  	v7 =	vld [tilespmem:s28+$0xFFFFFFC0]  }
0x159: {  	v8 =	vld [tilespmem:s17+$0xFFFFFFC0];
	v2 =	vmul.f32 v5, v2  }
0x15a: {  	v5 =	vld [tilespmem:s28+$0x40]  }
0x15b: {  	v10 =	vld [tilespmem:s17+$0x40];
	v2 =	vadd.f32 v9, v2  }
0x15c: {  	v4 =	vmul.f32 v4, v6;
	v6 =	vld [tilespmem:s26+$0xFFFFFF40]  }
0x15d: {  	v9 =	vld [tilespmem:s26+$0xFFFFFFC0];
	[tilespmem:s16+$0xE0] =	vst v2  }
0x15e: {  	v2 =	vmul.f32 v8, v7;
	v7 =	vld [tilespmem:s28+$0xF0]  }
0x15f: {  	v8 =	vld [tilespmem:s17+$0xF0]  }
0x160: {  	v5 =	vmul.f32 v10, v5;
	v10 =	vld [tilespmem:s26+$0x40]  }
0x161: {  	v4 =	vadd.f32 v6, v4;
	v6 =	vld [tilespmem:s26+$0xF0]  }
0x162: {  	v2 =	vadd.f32 v9, v2;
	v9 =	vld [tilespmem:s9+$0xFFFFFFF0]  }
0x163: {  	[tilespmem:s16+$0xFFFFFF40] =	vst v4;
	v4 =	vld [tilespmem:s10+$0x70];
	s10 =	smov.u32 s28  }
0x164: {  	v11 =	vld [tilespmem:s28+$0xFFFFFF50];
	[tilespmem:s16+$0xFFFFFFC0] =	vst v2;
	v2 =	vmul.f32 v8, v7  }
0x165: {  	v7 =	vld [tilespmem:s17+$0xFFFFFF50];
	v5 =	vadd.f32 v10, v5  }
0x166: {  	v8 =	vld [tilespmem:s28+$0xFFFFFFD0];
	v6 =	vadd.f32 v6, v2  }
0x167: {  	v10 =	vld [tilespmem:s17+$0xFFFFFFD0];
	[tilespmem:s16+$0x40] =	vst v5;
	v2 =	vmul.f32 v9, v3  }
0x168: {  	v5 =	vld [tilespmem:s28+$0x50];
	[tilespmem:s16+$0xF0] =	vst v6  }
0x169: {  	v6 =	vld [tilespmem:s17+$0x50]  }
0x16a: {  	v7 =	vmul.f32 v7, v11;
	v11 =	vld [tilespmem:s26+$0xFFFFFF50]  }
0x16b: {  	v12 =	vld [tilespmem:s26+$0xFFFFFFD0]  }
.Ltmp3:
0x16c: {  	v10 =	vmul.f32 v10, v8;
	v8 =	vld [tilespmem:s26+$0x50];
	(pc) =	sbr.rel @p2 .LBB2_5-.Ltmp3, $4  }
0x16d: {  	v3 =	vld [tilespmem:s9+$0x70];
	s9 =	smov.u32 s17  }
0x16e: {  	v9 =	vmul.f32 v6, v5;
	v5 =	vld [tilespmem:s8+$0xFFFFFF70]  }
0x16f: {  	v11 =	vadd.f32 v11, v7;
	v6 =	vld [tilespmem:s8+$0xFFFFFFF0]  }
0x170: {  	s28 =	sadd.s32 $0x200, s28;
	v10 =	vadd.f32 v12, v10;
	v7 =	vld [tilespmem:s8+$0x70];
	s8 =	smov.u32 s26  }
0x171: {  	[tilespmem:s16+$0xFFFFFF50] =	vst v11  }
0x172: {  	v11 =	vld [tilespmem:s10+$0xFFFFFF60]  }
0x173: {  	v8 =	vadd.f32 v8, v9;
	v9 =	vld [tilespmem:s9+$0xFFFFFF60]  }
0x174: {  	[tilespmem:s16+$0xFFFFFFD0] =	vst v10;
	v13 =	vld [tilespmem:s8+$0xFFFFFF60]  }
0x175: {  	v10 =	vld [tilespmem:s10+$0xFFFFFFE0]  }
0x176: {  	[tilespmem:s16+$0x50] =	vst v8;
	v8 =	vld [tilespmem:s9+$0xFFFFFFE0]  }
0x177: {  	v15 =	vld [tilespmem:s8+$0xFFFFFFE0]  }
0x178: {  	v12 =	vld [tilespmem:s10+$0x60]  }
0x179: {  	v14 =	vld [tilespmem:s9+$0x60];
	v9 =	vmul.f32 v9, v11;
	_ =	sdelay $0x1  }
0x17a: {  	v11 =	vld [tilespmem:s8+$0x60];
	v8 =	vmul.f32 v8, v10;
	v9 =	vadd.f32 v13, v9;
	_ =	sdelay $0x1  }
0x17b: {  	v8 =	vadd.f32 v15, v8;
	[tilespmem:s16+$0xFFFFFF60] =	vst v9  }
0x17c: {  	v10 =	vmul.f32 v14, v12;
	v9 =	vld [tilespmem:s10+$0xFFFFFF70]  }
0x17d: {  	[tilespmem:s16+$0xFFFFFFE0] =	vst v8;
	v8 =	vld [tilespmem:s9+$0xFFFFFF70]  }
0x17e: {  	v10 =	vadd.f32 v11, v10;
	v51 =	vld [tilespmem:s8+$0xFFFFFF70]  }
0x17f: {  	v11 =	vld [tilespmem:s10+$0xFFFFFFF0]  }
0x180: {  	[tilespmem:s16+$0x60] =	vst v10;
	v10 =	vld [tilespmem:s9+$0xFFFFFFF0]  }
0x181: {  	v49 =	vld [tilespmem:s10+$0x70]  }
0x182: {  	v50 =	vld [tilespmem:s9+$0x70]  }
0x183: {  	v52 =	vld [tilespmem:s8+$0xFFFFFFF0]  }
0x184: {  	v3 =	vmul.f32 v3, v4;
	v1 =	vadd.f32 v5, v1;
	v4 =	vld [tilespmem:s8+$0x70]  }
0x185: {  	v2 =	vadd.f32 v6, v2;
	v5 =	vmul.f32 v8, v9  }
0x186: {  	[tilespmem:s15+$0xFFFFFF70] =	vst v1;
	v1 =	vadd.f32 v7, v3;
	v3 =	vmul.f32 v10, v11  }
0x187: {  	[tilespmem:s15+$0xFFFFFFF0] =	vst v2;
	v5 =	vadd.f32 v51, v5;
	v2 =	vmul.f32 v50, v49  }
0x188: {  	[tilespmem:s15+$0x70] =	vst v1;
	v1 =	vadd.f32 v52, v3  }
0x189: {  	s26 =	sor.u32 s7, s14;
	[tilespmem:s16+$0xFFFFFF70] =	vst v5;
	v2 =	vadd.f32 v4, v2  }
0x18a: {  	s8 =	sshrl.u32 s26, $0x3;
	[tilespmem:s16+$0xFFFFFFF0] =	vst v1  }
0x18b: {  	p2 =	seq.s32 s11, $0x7F;
	s8 =	sadd.s32 s2, s8;
	[tilespmem:s16+$0x70] =	vst v2  }
0x18c: {  	[hbm4b:s8+s18] =	stream.strided.scatter [tilespmem:s20], [sflag:$0x3], $0x1000, s19, s18, $0x38;
	[tilespmem:$0x1C000] =	vst v63  }
0x18d: {  	s8 =	sadd.s32 @!p2 s13, s14  }
0x18e: {  	s15 =	simm.s32 @!p2 $0x14000;
	s8 =	sshrl.u32 @!p2 s8, $0x3  }
0x18f: {  	s9 =	simm.s32 @!p2 $0x400;
	s10 =	simm.s32 @!p2 $0x4000;
	s8 =	sadd.s32 @!p2 s1, s8  }
0x190: {  	[tilespmem:s15], [sflag:$0x1] =	stream.strided.gather @!p2 [hbm4b:s8+s9], $0x1000, s10, s9, $0x38;
	[tilespmem:$0x1C000] =	vst v63  }
0x191: {  	s8 =	sshrl.u32 @!p2 s12, $0x2  }
0x192: {  	s9 =	simm.s32 @!p2 $0x20;
	s10 =	simm.s32 @!p2 $0x18000;
	s8 =	sadd.s32 @!p2 $0x2040, s8  }
0x193: {  	[tilespmem:s10], [sflag:$0x5] =	stream.indirect.gather @!p2 [spmem:s3], $0x80, s8, s9, $0xb8;
	[tilespmem:$0x1C000] =	vst v63  }
0x194: {  	s10 =	simm.s32 @!p2 $0x1A000  }
0x195: {  	[tilespmem:s10], [sflag:$0x7] =	stream.indirect.gather @!p2 [spmem:s4], $0x80, s8, s9, $0xb8;
	[tilespmem:$0x1C000] =	vst v63  }
0x196: {  	_ =	swait.ge [sflag:s23], $0x1000  }
0x197: {  	[sflag:s23] =	ssyncset.done $0x0  }
0x198: {  	[sflag:s23] =	ssyncadd.s32 $0xFFFFF000  }
0x199: {  	_ =	swait.ge [sflag:s24], $0x1000  }
0x19a: {  	[sflag:s24] =	ssyncset.done $0x0  }
0x19b: {  	[sflag:s24] =	ssyncadd.s32 $0xFFFFF000  }
0x19c: {  	_ =	swait.ge [sflag:s5], $0x1000  }
0x19d: {  	[sflag:s5] =	ssyncset.done $0x0  }
0x19e: {  	s8 =	simm.s32 @!p1 $0x4;
	[sflag:s5] =	ssyncadd.s32 $0xFFFFF000  }
0x19f: {  	_ =	swait.ge @!p1 [sflag:s8], $0x1000  }
0x1a0: {  	[sflag:s8] =	ssyncset.done @!p1 $0x0  }
0x1a1: {  	s25 =	simm.s32 $0x19100;
	[sflag:s8] =	ssyncadd.s32 @!p1 $0xFFFFF000  }
0x1a2: {  	s9 =	simm.s32 $0x15100;
	v1 =	vld [tilespmem:s25+$0x80]  }
0x1a3: {  	s8 =	simm.s32 $0x1B100;
	v2 =	vld [tilespmem:s9+$0x80]  }
0x1a4: {  	v3 =	vld [tilespmem:s8+$0x80]  }
0x1a5: {  	v4 =	vld [tilespmem:s9+$0xFFFFFF00]  }
0x1a6: {  	v5 =	vld [tilespmem:s25+$0xFFFFFF80]  }
0x1a7: {  	v6 =	vld [tilespmem:s25+$0xFFFFFF00]  }
0x1a8: {  	v7 =	vld [tilespmem:s8+$0xFFFFFF00];
	v1 =	vmul.f32 v2, v1  }
0x1a9: {  	v8 =	vld [tilespmem:s8+$0xFFFFFF80]  }
0x1aa: {  	s10 =	simm.s32 $0x19300;
	v9 =	vld [tilespmem:s9+$0x0];
	v1 =	vadd.f32 v3, v1  }
0x1ab: {  	s17 =	simm.s32 $0x15300;
	s15 =	simm.s32 $0x17100;
	v54 =	vld [tilespmem:s10+$0x80]  }
0x1ac: {  	v55 =	vld [tilespmem:s17+$0x80];
	[tilespmem:s15+$0x80] =	vst v1  }
0x1ad: {  	v1 =	vld [tilespmem:s25+$0x90]  }
0x1ae: {  	v2 =	vld [tilespmem:s9+$0x90]  }
0x1af: {  	v56 =	vld [tilespmem:s17+$0xFFFFFF00]  }
0x1b0: {  	s26 =	simm.s32 $0x1B300;
	v3 =	vld [tilespmem:s8+$0x90]  }
0x1b1: {  	v16 =	vld [tilespmem:s26+$0x80]  }
0x1b2: {  	v17 =	vld [tilespmem:s10+$0xFFFFFF80]  }
0x1b3: {  	v18 =	vld [tilespmem:s17+$0xFFFFFF80];
	v1 =	vmul.f32 v2, v1  }
0x1b4: {  	v19 =	vld [tilespmem:s10+$0x0]  }
0x1b5: {  	v2 =	vld [tilespmem:s9+$0xFFFFFF80];
	v1 =	vadd.f32 v3, v1  }
0x1b6: {  	v57 =	vld [tilespmem:s17+$0x0]  }
0x1b7: {  	v20 =	vld [tilespmem:s10+$0xFFFFFF00];
	[tilespmem:s15+$0x90] =	vst v1  }
0x1b8: {  	v1 =	vmul.f32 v4, v6;
	v4 =	vld [tilespmem:s25+$0xA0]  }
0x1b9: {  	v6 =	vld [tilespmem:s9+$0xA0]  }
0x1ba: {  	v3 =	vld [tilespmem:s25+$0x0];
	v2 =	vmul.f32 v2, v5;
	v1 =	vadd.f32 v7, v1  }
0x1bb: {  	v5 =	vld [tilespmem:s8+$0xA0]  }
0x1bc: {  	v7 =	vld [tilespmem:s8+$0x0];
	v2 =	vadd.f32 v8, v2;
	[tilespmem:s15+$0xFFFFFF00] =	vst v1  }
0x1bd: {  	v1 =	vld [tilespmem:s25+$0xFFFFFF10]  }
0x1be: {  	[tilespmem:s15+$0xFFFFFF80] =	vst v2;
	v2 =	vld [tilespmem:s9+$0xFFFFFF10];
	v4 =	vmul.f32 v6, v4  }
0x1bf: {  	v6 =	vld [tilespmem:s25+$0xFFFFFF90]  }
0x1c0: {  	v8 =	vld [tilespmem:s9+$0xFFFFFF90];
	v4 =	vadd.f32 v5, v4  }
0x1c1: {  	v3 =	vmul.f32 v9, v3;
	v9 =	vld [tilespmem:s8+$0xFFFFFF90]  }
0x1c2: {  	v5 =	vld [tilespmem:s8+$0xFFFFFF10];
	[tilespmem:s15+$0xA0] =	vst v4  }
0x1c3: {  	v4 =	vld [tilespmem:s25+$0xB0]  }
0x1c4: {  	v3 =	vadd.f32 v7, v3;
	v7 =	vld [tilespmem:s9+$0xB0]  }
0x1c5: {  	v58 =	vld [tilespmem:s26+$0xFFFFFF00];
	v1 =	vmul.f32 v2, v1  }
0x1c6: {  	[tilespmem:s15+$0x0] =	vst v3;
	v2 =	vld [tilespmem:s8+$0xB0]  }
0x1c7: {  	v3 =	vld [tilespmem:s25+$0x10];
	v6 =	vmul.f32 v8, v6;
	v1 =	vadd.f32 v5, v1  }
0x1c8: {  	v8 =	vld [tilespmem:s8+$0x10]  }
0x1c9: {  	v5 =	vld [tilespmem:s9+$0x10];
	v6 =	vadd.f32 v9, v6;
	[tilespmem:s15+$0xFFFFFF10] =	vst v1;
	v1 =	vmul.f32 v7, v4  }
0x1ca: {  	v4 =	vld [tilespmem:s25+$0xFFFFFF20]  }
0x1cb: {  	[tilespmem:s15+$0xFFFFFF90] =	vst v6;
	v6 =	vld [tilespmem:s9+$0xFFFFFF20];
	v1 =	vadd.f32 v2, v1  }
0x1cc: {  	v7 =	vld [tilespmem:s8+$0xFFFFFF20]  }
0x1cd: {  	v9 =	vld [tilespmem:s9+$0xFFFFFFA0];
	[tilespmem:s15+$0xB0] =	vst v1  }
0x1ce: {  	v1 =	vld [tilespmem:s25+$0xC0]  }
0x1cf: {  	v3 =	vmul.f32 v5, v3;
	v5 =	vld [tilespmem:s9+$0xC0]  }
0x1d0: {  	v2 =	vld [tilespmem:s25+$0xFFFFFFA0]  }
0x1d1: {  	v3 =	vadd.f32 v8, v3;
	v8 =	vld [tilespmem:s8+$0xC0]  }
0x1d2: {  	v59 =	vld [tilespmem:s26+$0x0];
	v4 =	vmul.f32 v6, v4  }
0x1d3: {  	[tilespmem:s15+$0x10] =	vst v3;
	v3 =	vld [tilespmem:s8+$0xFFFFFFA0]  }
0x1d4: {  	v6 =	vld [tilespmem:s25+$0x20];
	v4 =	vadd.f32 v7, v4;
	v1 =	vmul.f32 v5, v1  }
0x1d5: {  	v5 =	vld [tilespmem:s9+$0x20]  }
0x1d6: {  	v2 =	vmul.f32 v9, v2;
	v7 =	vld [tilespmem:s8+$0x20];
	[tilespmem:s15+$0xFFFFFF20] =	vst v4;
	v1 =	vadd.f32 v8, v1  }
0x1d7: {  	v4 =	vld [tilespmem:s25+$0xFFFFFF30]  }
0x1d8: {  	v2 =	vadd.f32 v3, v2;
	v3 =	vld [tilespmem:s9+$0xFFFFFF30];
	[tilespmem:s15+$0xC0] =	vst v1  }
0x1d9: {  	v1 =	vld [tilespmem:s25+$0xD0]  }
0x1da: {  	[tilespmem:s15+$0xFFFFFFA0] =	vst v2;
	v5 =	vmul.f32 v5, v6;
	v2 =	vld [tilespmem:s9+$0xD0]  }
0x1db: {  	v8 =	vld [tilespmem:s9+$0xFFFFFFB0]  }
0x1dc: {  	v5 =	vadd.f32 v7, v5;
	v7 =	vld [tilespmem:s8+$0xD0]  }
0x1dd: {  	v13 =	vmul.f32 v55, v54;
	v6 =	vld [tilespmem:s25+$0xFFFFFFB0]  }
0x1de: {  	v3 =	vmul.f32 v3, v4;
	v4 =	vld [tilespmem:s8+$0xFFFFFFB0]  }
0x1df: {  	v13 =	vadd.f32 v16, v13;
	[tilespmem:s15+$0x20] =	vst v5;
	v5 =	vld [tilespmem:s8+$0xFFFFFF30];
	v1 =	vmul.f32 v2, v1  }
0x1e0: {  	s16 =	simm.s32 $0x17300;
	v9 =	vld [tilespmem:s25+$0x30]  }
0x1e1: {  	[tilespmem:s16+$0x80] =	vst v13;
	v2 =	vld [tilespmem:s9+$0x30];
	v1 =	vadd.f32 v7, v1  }
0x1e2: {  	v13 =	vld [tilespmem:s10+$0x90]  }
0x1e3: {  	v7 =	vld [tilespmem:s8+$0x30];
	[tilespmem:s15+$0xD0] =	vst v1  }
0x1e4: {  	v3 =	vadd.f32 v5, v3;
	v1 =	vmul.f32 v8, v6;
	v5 =	vld [tilespmem:s25+$0xE0]  }
0x1e5: {  	v6 =	vld [tilespmem:s8+$0xE0]  }
0x1e6: {  	v2 =	vmul.f32 v2, v9;
	[tilespmem:s15+$0xFFFFFF30] =	vst v3;
	v3 =	vld [tilespmem:s9+$0xE0];
	v1 =	vadd.f32 v4, v1  }
0x1e7: {  	v4 =	vld [tilespmem:s25+$0xFFFFFF40]  }
0x1e8: {  	v2 =	vadd.f32 v7, v2;
	[tilespmem:s15+$0xFFFFFFB0] =	vst v1;
	v1 =	vld [tilespmem:s9+$0xFFFFFF40]  }
0x1e9: {  	v7 =	vld [tilespmem:s25+$0xFFFFFFC0]  }
0x1ea: {  	[tilespmem:s15+$0x30] =	vst v2;
	v2 =	vld [tilespmem:s9+$0xFFFFFFC0]  }
0x1eb: {  	v3 =	vmul.f32 v3, v5;
	v5 =	vld [tilespmem:s8+$0xFFFFFF40]  }
0x1ec: {  	v8 =	vld [tilespmem:s25+$0x40]  }
0x1ed: {  	v9 =	vld [tilespmem:s9+$0x40];
	v3 =	vadd.f32 v6, v3  }
0x1ee: {  	v6 =	vld [tilespmem:s8+$0xFFFFFFC0];
	v4 =	vmul.f32 v1, v4  }
0x1ef: {  	v10 =	vld [tilespmem:s8+$0x40];
	[tilespmem:s15+$0xE0] =	vst v3  }
0x1f0: {  	v1 =	vld [tilespmem:s25+$0xF0];
	v4 =	vadd.f32 v5, v4  }
0x1f1: {  	v7 =	vmul.f32 v2, v7;
	v3 =	vld [tilespmem:s9+$0xF0]  }
0x1f2: {  	v5 =	vmul.f32 v9, v8;
	v2 =	vld [tilespmem:s8+$0xF0];
	[tilespmem:s15+$0xFFFFFF40] =	vst v4  }
0x1f3: {  	v6 =	vadd.f32 v6, v7;
	v4 =	vld [tilespmem:s25+$0xFFFFFF50]  }
0x1f4: {  	v5 =	vadd.f32 v10, v5;
	v10 =	vld [tilespmem:s8+$0xFFFFFF50]  }
0x1f5: {  	[tilespmem:s15+$0xFFFFFFC0] =	vst v6;
	v6 =	vld [tilespmem:s9+$0xFFFFFF50]  }
0x1f6: {  	v7 =	vld [tilespmem:s25+$0xFFFFFFD0]  }
0x1f7: {  	[tilespmem:s15+$0x40] =	vst v5;
	v8 =	vld [tilespmem:s9+$0xFFFFFFD0]  }
0x1f8: {  	v5 =	vld [tilespmem:s25+$0x50]  }
0x1f9: {  	v11 =	vld [tilespmem:s8+$0xFFFFFFD0]  }
0x1fa: {  	v9 =	vld [tilespmem:s9+$0x50];
	v4 =	vmul.f32 v6, v4  }
0x1fb: {  	v53 =	vld [tilespmem:s8+$0x50]  }
0x1fc: {  	v6 =	vld [tilespmem:s26+$0xFFFFFF80];
	v7 =	vmul.f32 v8, v7;
	v4 =	vadd.f32 v10, v4  }
0x1fd: {  	v8 =	vld [tilespmem:s17+$0x90]  }
0x1fe: {  	v10 =	vmul.f32 v56, v20;
	v7 =	vadd.f32 v11, v7;
	[tilespmem:s15+$0xFFFFFF50] =	vst v4;
	v4 =	vld [tilespmem:s26+$0x90]  }
0x1ff: {  	v60 =	vld [tilespmem:s25+$0xFFFFFF60]  }
0x200: {  	v11 =	vmul.f32 v18, v17;
	v10 =	vadd.f32 v58, v10;
	[tilespmem:s15+$0xFFFFFFD0] =	vst v7;
	v7 =	vld [tilespmem:s9+$0xFFFFFF60]  }
0x201: {  	v37 =	vld [tilespmem:s8+$0xFFFFFF60]  }
0x202: {  	v6 =	vadd.f32 v6, v11;
	[tilespmem:s16+$0xFFFFFF00] =	vst v10;
	v10 =	vld [tilespmem:s25+$0xFFFFFFE0]  }
0x203: {  	v11 =	vld [tilespmem:s10+$0xFFFFFF10]  }
0x204: {  	v61 =	vmul.f32 v57, v19;
	[tilespmem:s16+$0xFFFFFF80] =	vst v6;
	v6 =	vld [tilespmem:s17+$0xFFFFFF10]  }
0x205: {  	v23 =	vld [tilespmem:s26+$0xFFFFFF10]  }
0x206: {  	v8 =	vmul.f32 v8, v13;
	v13 =	vadd.f32 v59, v61;
	v62 =	vld [tilespmem:s17+$0xFFFFFF90]  }
0x207: {  	v24 =	vld [tilespmem:s26+$0xFFFFFF90]  }
0x208: {  	[tilespmem:s16+$0x0] =	vst v13;
	v4 =	vadd.f32 v4, v8;
	v8 =	vld [tilespmem:s10+$0xFFFFFF90]  }
0x209: {  	v5 =	vmul.f32 v9, v5;
	v21 =	vld [tilespmem:s10+$0x10]  }
0x20a: {  	v9 =	vld [tilespmem:s17+$0x10];
	[tilespmem:s16+$0x90] =	vst v4  }
0x20b: {  	v5 =	vadd.f32 v53, v5;
	v4 =	vld [tilespmem:s10+$0xA0]  }
0x20c: {  	v7 =	vmul.f32 v7, v60;
	v63 =	vld [tilespmem:s17+$0xA0]  }
0x20d: {  	[tilespmem:s15+$0x50] =	vst v5;
	v25 =	vld [tilespmem:s26+$0x10];
	v5 =	vmul.f32 v6, v11  }
0x20e: {  	v22 =	vld [tilespmem:s26+$0xA0];
	v7 =	vadd.f32 v37, v7  }
0x20f: {  	v6 =	vld [tilespmem:s9+$0xFFFFFFE0];
	v5 =	vadd.f32 v23, v5  }
0x210: {  	v11 =	vld [tilespmem:s25+$0x60];
	v8 =	vmul.f32 v62, v8;
	[tilespmem:s15+$0xFFFFFF60] =	vst v7  }
0x211: {  	v7 =	vld [tilespmem:s8+$0x60];
	[tilespmem:s16+$0xFFFFFF10] =	vst v5;
	v4 =	vmul.f32 v63, v4  }
0x212: {  	v8 =	vadd.f32 v24, v8;
	v27 =	vld [tilespmem:s10+$0xFFFFFF20]  }
0x213: {  	v32 =	vld [tilespmem:s26+$0xFFFFFF20];
	v4 =	vadd.f32 v22, v4  }
0x214: {  	v9 =	vmul.f32 v9, v21;
	[tilespmem:s16+$0xFFFFFF90] =	vst v8;
	v8 =	vld [tilespmem:s17+$0xFFFFFF20]  }
0x215: {  	v29 =	vld [tilespmem:s10+$0xFFFFFFA0];
	[tilespmem:s16+$0xA0] =	vst v4  }
0x216: {  	v9 =	vadd.f32 v25, v9;
	v26 =	vld [tilespmem:s10+$0xB0]  }
0x217: {  	v5 =	vld [tilespmem:s17+$0xB0]  }
0x218: {  	[tilespmem:s16+$0x10] =	vst v9;
	v9 =	vld [tilespmem:s17+$0xFFFFFFA0]  }
0x219: {  	v28 =	vld [tilespmem:s26+$0xB0]  }
0x21a: {  	v30 =	vld [tilespmem:s10+$0x20]  }
0x21b: {  	v31 =	vld [tilespmem:s17+$0x20];
	v8 =	vmul.f32 v8, v27  }
0x21c: {  	v33 =	vld [tilespmem:s26+$0xFFFFFFA0];
	v5 =	vmul.f32 v5, v26  }
0x21d: {  	v35 =	vld [tilespmem:s26+$0x20];
	v8 =	vadd.f32 v32, v8  }
0x21e: {  	v4 =	vld [tilespmem:s9+$0x60];
	v5 =	vadd.f32 v28, v5  }
0x21f: {  	v9 =	vmul.f32 v9, v29;
	[tilespmem:s16+$0xFFFFFF20] =	vst v8;
	v8 =	vld [tilespmem:s8+$0xFFFFFFE0]  }
0x220: {  	v38 =	vld [tilespmem:s10+$0xFFFFFF30];
	[tilespmem:s16+$0xB0] =	vst v5  }
0x221: {  	v9 =	vadd.f32 v33, v9;
	v5 =	vld [tilespmem:s10+$0xC0]  }
0x222: {  	v34 =	vld [tilespmem:s17+$0xC0]  }
0x223: {  	v14 =	vmul.f32 v31, v30;
	[tilespmem:s16+$0xFFFFFFA0] =	vst v9;
	v9 =	vld [tilespmem:s17+$0xFFFFFF30]  }
0x224: {  	v36 =	vld [tilespmem:s26+$0xC0]  }
0x225: {  	v39 =	vadd.f32 v35, v14;
	v45 =	vld [tilespmem:s26+$0xFFFFFF30]  }
0x226: {  	v40 =	vld [tilespmem:s10+$0xFFFFFFB0]  }
0x227: {  	[tilespmem:s16+$0x20] =	vst v39;
	v41 =	vld [tilespmem:s17+$0xFFFFFFB0];
	v5 =	vmul.f32 v34, v5  }
0x228: {  	v12 =	vld [tilespmem:s10+$0x30]  }
0x229: {  	v4 =	vmul.f32 v4, v11;
	v43 =	vld [tilespmem:s17+$0x30];
	v5 =	vadd.f32 v36, v5  }
0x22a: {  	v6 =	vmul.f32 v6, v10;
	v10 =	vld [tilespmem:s26+$0xFFFFFFB0]  }
0x22b: {  	v4 =	vadd.f32 v7, v4;
	v46 =	vld [tilespmem:s26+$0x30];
	[tilespmem:s16+$0xC0] =	vst v5  }
0x22c: {  	v5 =	vld [tilespmem:s10+$0xD0]  }
0x22d: {  	[tilespmem:s15+$0x60] =	vst v4;
	v42 =	vld [tilespmem:s17+$0xD0]  }
0x22e: {  	v4 =	vld [tilespmem:s25+$0x70];
	v6 =	vadd.f32 v8, v6;
	v8 =	vmul.f32 v9, v38  }
0x22f: {  	v12 =	vmul.f32 v43, v12;
	v44 =	vld [tilespmem:s26+$0xD0]  }
0x230: {  	v9 =	vld [tilespmem:s25+$0xFFFFFF70];
	v8 =	vadd.f32 v45, v8  }
0x231: {  	[tilespmem:s15+$0xFFFFFFE0] =	vst v6;
	v6 =	vld [tilespmem:s9+$0xFFFFFF70];
	v12 =	vadd.f32 v46, v12  }
0x232: {  	v47 =	vld [tilespmem:s25+$0xFFFFFFF0];
	[tilespmem:s16+$0xFFFFFF30] =	vst v8;
	v5 =	vmul.f32 v42, v5  }
0x233: {  	[tilespmem:s16+$0x30] =	vst v12;
	v54 =	vld [tilespmem:s26+$0xFFFFFF40]  }
0x234: {  	v52 =	vld [tilespmem:s10+$0x40];
	v5 =	vadd.f32 v44, v5  }
0x235: {  	v53 =	vld [tilespmem:s17+$0x40]  }
0x236: {  	v7 =	vld [tilespmem:s26+$0x40];
	[tilespmem:s16+$0xD0] =	vst v5  }
0x237: {  	v5 =	vmul.f32 v41, v40;
	v48 =	vld [tilespmem:s10+$0xE0]  }
0x238: {  	v8 =	vld [tilespmem:s17+$0xE0]  }
0x239: {  	v49 =	vld [tilespmem:s26+$0xE0];
	v5 =	vadd.f32 v10, v5  }
0x23a: {  	v10 =	vld [tilespmem:s10+$0xFFFFFF40]  }
0x23b: {  	v13 =	vmul.f32 v53, v52;
	[tilespmem:s16+$0xFFFFFFB0] =	vst v5;
	v5 =	vld [tilespmem:s17+$0xFFFFFF40]  }
0x23c: {  	v50 =	vld [tilespmem:s10+$0xFFFFFFC0]  }
0x23d: {  	v7 =	vadd.f32 v7, v13;
	v51 =	vld [tilespmem:s17+$0xFFFFFFC0];
	v8 =	vmul.f32 v8, v48  }
0x23e: {  	v57 =	vld [tilespmem:s9+$0xFFFFFFF0]  }
0x23f: {  	[tilespmem:s16+$0x40] =	vst v7;
	v55 =	vld [tilespmem:s26+$0xFFFFFFC0];
	v8 =	vadd.f32 v49, v8  }
0x240: {  	v7 =	vld [tilespmem:s10+$0x50];
	v5 =	vmul.f32 v5, v10  }
0x241: {  	v60 =	vld [tilespmem:s17+$0x50];
	[tilespmem:s16+$0xE0] =	vst v8  }
0x242: {  	v11 =	vmul.f32 v51, v50;
	v8 =	vld [tilespmem:s10+$0xF0];
	v5 =	vadd.f32 v54, v5  }
0x243: {  	v10 =	vld [tilespmem:s17+$0xF0]  }
0x244: {  	v56 =	vld [tilespmem:s26+$0xF0];
	v11 =	vadd.f32 v55, v11;
	[tilespmem:s16+$0xFFFFFF40] =	vst v5  }
0x245: {  	v5 =	vld [tilespmem:s10+$0xFFFFFF50]  }
0x246: {  	[tilespmem:s16+$0xFFFFFFC0] =	vst v11;
	v11 =	vld [tilespmem:s17+$0xFFFFFF50]  }
0x247: {  	v58 =	vld [tilespmem:s10+$0xFFFFFFD0]  }
0x248: {  	v59 =	vld [tilespmem:s17+$0xFFFFFFD0]  }
0x249: {  	v61 =	vld [tilespmem:s26+$0xFFFFFF50]  }
0x24a: {  	v1 =	vmul.f32 v3, v1;
	v62 =	vld [tilespmem:s26+$0xFFFFFFD0]  }
0x24b: {  	v10 =	vmul.f32 v10, v8;
	v8 =	vld [tilespmem:s26+$0x50]  }
0x24c: {  	v1 =	vadd.f32 v2, v1;
	v3 =	vld [tilespmem:s9+$0x70];
	v11 =	vmul.f32 v11, v5  }
0x24d: {  	v10 =	vadd.f32 v56, v10;
	v5 =	vld [tilespmem:s8+$0xFFFFFF70];
	v63 =	vmul.f32 v59, v58  }
0x24e: {  	s28 =	simm.s32 $0x19500;
	[tilespmem:s15+$0xF0] =	vst v1;
	v1 =	vmul.f32 v6, v9;
	v6 =	vld [tilespmem:s8+$0xFFFFFFF0];
	v9 =	vmul.f32 v60, v7;
	v11 =	vadd.f32 v61, v11  }
0x24f: {  	s25 =	simm.s32 $0x4;
	s9 =	simm.s32 $0x15300;
	v2 =	vmul.f32 v57, v47;
	v7 =	vld [tilespmem:s8+$0x70];
	s8 =	simm.s32 $0x1B300;
	[tilespmem:s16+$0xF0] =	vst v10;
	v10 =	vadd.f32 v62, v63  }
.LBB2_7:
0x250: {  	v12 =	vld [tilespmem:s28+$0x80];
	[tilespmem:s16+$0xFFFFFF50] =	vst v11;
	v8 =	vadd.f32 v8, v9;
	s17 =	sadd.s32 $0x200, s17  }
0x251: {  	v9 =	vld [tilespmem:s17+$0x80];
	[tilespmem:s16+$0xFFFFFFD0] =	vst v10;
	v3 =	vmul.f32 v3, v4  }
0x252: {  	s26 =	sadd.s32 $0x200, s26;
	v4 =	vld [tilespmem:s17+$0xFFFFFF00];
	[tilespmem:s16+$0x50] =	vst v8;
	v1 =	vadd.f32 v5, v1  }
0x253: {  	v5 =	vld [tilespmem:s26+$0x80];
	v2 =	vadd.f32 v6, v2  }
0x254: {  	v6 =	vld [tilespmem:s28+$0xFFFFFF80];
	[tilespmem:s15+$0xFFFFFF70] =	vst v1;
	v1 =	vadd.f32 v7, v3  }
0x255: {  	v3 =	vld [tilespmem:s17+$0xFFFFFF80];
	[tilespmem:s15+$0xFFFFFFF0] =	vst v2  }
0x256: {  	v2 =	vld [tilespmem:s28+$0x0];
	v7 =	vmul.f32 v9, v12;
	[tilespmem:s15+$0x70] =	vst v1;
	s15 =	smov.u32 s16  }
0x257: {  	v1 =	vld [tilespmem:s17+$0x0]  }
0x258: {  	s25 =	sadd.s32 $0x4, s25;
	v8 =	vld [tilespmem:s28+$0xFFFFFF00];
	v5 =	vadd.f32 v5, v7  }
0x259: {  	p1 =	slt.u32 s25, $0x1C;
	s16 =	sadd.s32 $0x200, s16;
	v7 =	vld [tilespmem:s26+$0xFFFFFF00]  }
0x25a: {  	v3 =	vmul.f32 v3, v6;
	v6 =	vld [tilespmem:s26+$0xFFFFFF80];
	[tilespmem:s16+$0x80] =	vst v5  }
0x25b: {  	v5 =	vld [tilespmem:s28+$0x90]  }
0x25c: {  	v1 =	vmul.f32 v1, v2;
	v2 =	vld [tilespmem:s17+$0x90]  }
0x25d: {  	v4 =	vmul.f32 v4, v8;
	v8 =	vld [tilespmem:s26+$0x0]  }
0x25e: {  	v9 =	vld [tilespmem:s26+$0x90]  }
0x25f: {  	v4 =	vadd.f32 v7, v4;
	v3 =	vadd.f32 v6, v3;
	v6 =	vld [tilespmem:s10+$0xFFFFFF60]  }
0x260: {  	v7 =	vld [tilespmem:s9+$0xFFFFFF60]  }
0x261: {  	[tilespmem:s16+$0xFFFFFF00] =	vst v4;
	v2 =	vmul.f32 v2, v5;
	v4 =	vld [tilespmem:s10+$0xFFFFFFE0]  }
0x262: {  	v5 =	vld [tilespmem:s28+$0xFFFFFF10];
	[tilespmem:s16+$0xFFFFFF80] =	vst v3;
	v1 =	vadd.f32 v8, v1  }
0x263: {  	v3 =	vld [tilespmem:s17+$0xFFFFFF10];
	v2 =	vadd.f32 v9, v2  }
0x264: {  	v8 =	vld [tilespmem:s28+$0xFFFFFF90];
	[tilespmem:s16+$0x0] =	vst v1  }
0x265: {  	v1 =	vld [tilespmem:s17+$0xFFFFFF90];
	[tilespmem:s16+$0x90] =	vst v2;
	v2 =	vmul.f32 v7, v6  }
0x266: {  	v6 =	vld [tilespmem:s28+$0xA0]  }
0x267: {  	v7 =	vld [tilespmem:s17+$0xA0]  }
0x268: {  	v3 =	vmul.f32 v3, v5;
	v5 =	vld [tilespmem:s28+$0x10]  }
0x269: {  	v9 =	vld [tilespmem:s26+$0xA0]  }
0x26a: {  	v1 =	vmul.f32 v1, v8;
	v8 =	vld [tilespmem:s17+$0x10]  }
0x26b: {  	v10 =	vld [tilespmem:s26+$0xFFFFFF10]  }
0x26c: {  	v11 =	vld [tilespmem:s26+$0xFFFFFF90];
	v6 =	vmul.f32 v7, v6  }
0x26d: {  	v7 =	vld [tilespmem:s26+$0x10]  }
0x26e: {  	v6 =	vadd.f32 v9, v6;
	v9 =	vld [tilespmem:s9+$0xFFFFFFE0]  }
0x26f: {  	v5 =	vmul.f32 v8, v5;
	v8 =	vld [tilespmem:s10+$0x60]  }
0x270: {  	v3 =	vadd.f32 v10, v3;
	[tilespmem:s16+$0xA0] =	vst v6;
	v6 =	vld [tilespmem:s9+$0x60]  }
0x271: {  	v1 =	vadd.f32 v11, v1;
	v10 =	vld [tilespmem:s28+$0xB0]  }
0x272: {  	[tilespmem:s16+$0xFFFFFF10] =	vst v3;
	v3 =	vadd.f32 v7, v5;
	v5 =	vld [tilespmem:s17+$0xB0]  }
0x273: {  	v7 =	vld [tilespmem:s28+$0xFFFFFF20];
	[tilespmem:s16+$0xFFFFFF90] =	vst v1;
	v1 =	vmul.f32 v9, v4  }
0x274: {  	[tilespmem:s16+$0x10] =	vst v3;
	v3 =	vld [tilespmem:s26+$0xB0]  }
0x275: {  	v4 =	vld [tilespmem:s17+$0xFFFFFF20];
	v6 =	vmul.f32 v6, v8  }
0x276: {  	v8 =	vld [tilespmem:s28+$0xFFFFFFA0]  }
0x277: {  	v9 =	vld [tilespmem:s17+$0xFFFFFFA0];
	v5 =	vmul.f32 v5, v10  }
0x278: {  	v10 =	vld [tilespmem:s28+$0x20]  }
0x279: {  	v11 =	vld [tilespmem:s17+$0x20];
	v3 =	vadd.f32 v3, v5  }
0x27a: {  	v4 =	vmul.f32 v4, v7;
	v5 =	vld [tilespmem:s26+$0xFFFFFF20]  }
0x27b: {  	v7 =	vld [tilespmem:s26+$0xFFFFFFA0];
	[tilespmem:s16+$0xB0] =	vst v3  }
0x27c: {  	v3 =	vmul.f32 v9, v8;
	v8 =	vld [tilespmem:s28+$0xC0]  }
0x27d: {  	v9 =	vld [tilespmem:s17+$0xC0]  }
0x27e: {  	v10 =	vmul.f32 v11, v10;
	v11 =	vld [tilespmem:s26+$0x20]  }
0x27f: {  	v4 =	vadd.f32 v5, v4;
	v5 =	vld [tilespmem:s26+$0xC0]  }
0x280: {  	v3 =	vadd.f32 v7, v3;
	v7 =	vld [tilespmem:s8+$0xFFFFFF60]  }
0x281: {  	[tilespmem:s16+$0xFFFFFF20] =	vst v4;
	v4 =	vld [tilespmem:s8+$0xFFFFFFE0]  }
0x282: {  	v12 =	vld [tilespmem:s28+$0xFFFFFF30];
	[tilespmem:s16+$0xFFFFFFA0] =	vst v3;
	v3 =	vmul.f32 v9, v8  }
0x283: {  	v8 =	vld [tilespmem:s17+$0xFFFFFF30];
	v9 =	vadd.f32 v11, v10  }
0x284: {  	v10 =	vld [tilespmem:s28+$0xFFFFFFB0];
	v3 =	vadd.f32 v5, v3  }
0x285: {  	v5 =	vld [tilespmem:s17+$0xFFFFFFB0];
	[tilespmem:s16+$0x20] =	vst v9;
	v2 =	vadd.f32 v7, v2  }
0x286: {  	v7 =	vld [tilespmem:s28+$0x30];
	[tilespmem:s16+$0xC0] =	vst v3;
	v1 =	vadd.f32 v4, v1  }
0x287: {  	v3 =	vld [tilespmem:s28+$0xD0];
	[tilespmem:s15+$0xFFFFFF60] =	vst v2  }
0x288: {  	v2 =	vmul.f32 v8, v12;
	v4 =	vld [tilespmem:s17+$0xD0];
	[tilespmem:s15+$0xFFFFFFE0] =	vst v1  }
0x289: {  	v1 =	vld [tilespmem:s17+$0x30]  }
0x28a: {  	v5 =	vmul.f32 v5, v10;
	v8 =	vld [tilespmem:s26+$0xD0]  }
0x28b: {  	v9 =	vld [tilespmem:s26+$0xFFFFFF30]  }
0x28c: {  	v10 =	vld [tilespmem:s26+$0xFFFFFFB0]  }
0x28d: {  	v11 =	vld [tilespmem:s26+$0x30];
	v3 =	vmul.f32 v4, v3  }
0x28e: {  	v1 =	vmul.f32 v1, v7;
	v4 =	vld [tilespmem:s8+$0x60]  }
0x28f: {  	v3 =	vadd.f32 v8, v3;
	v7 =	vld [tilespmem:s10+$0xFFFFFF70]  }
0x290: {  	v2 =	vadd.f32 v9, v2;
	v8 =	vld [tilespmem:s9+$0xFFFFFF70]  }
0x291: {  	v5 =	vadd.f32 v10, v5;
	[tilespmem:s16+$0xD0] =	vst v3;
	v3 =	vld [tilespmem:s10+$0xFFFFFFF0]  }
0x292: {  	[tilespmem:s16+$0xFFFFFF30] =	vst v2;
	v1 =	vadd.f32 v11, v1;
	v2 =	vld [tilespmem:s28+$0xE0]  }
0x293: {  	[tilespmem:s16+$0xFFFFFFB0] =	vst v5;
	v5 =	vld [tilespmem:s17+$0xE0];
	v4 =	vadd.f32 v4, v6  }
0x294: {  	v6 =	vld [tilespmem:s28+$0xFFFFFF40];
	[tilespmem:s16+$0x30] =	vst v1  }
0x295: {  	v9 =	vld [tilespmem:s26+$0xE0];
	v1 =	vmul.f32 v8, v7;
	[tilespmem:s15+$0x60] =	vst v4  }
0x296: {  	v4 =	vld [tilespmem:s17+$0xFFFFFF40]  }
0x297: {  	v7 =	vld [tilespmem:s28+$0xFFFFFFC0]  }
0x298: {  	v8 =	vld [tilespmem:s17+$0xFFFFFFC0];
	v2 =	vmul.f32 v5, v2  }
0x299: {  	v5 =	vld [tilespmem:s28+$0x40]  }
0x29a: {  	v10 =	vld [tilespmem:s17+$0x40];
	v2 =	vadd.f32 v9, v2  }
0x29b: {  	v4 =	vmul.f32 v4, v6;
	v6 =	vld [tilespmem:s26+$0xFFFFFF40]  }
0x29c: {  	v9 =	vld [tilespmem:s26+$0xFFFFFFC0];
	[tilespmem:s16+$0xE0] =	vst v2  }
0x29d: {  	v2 =	vmul.f32 v8, v7;
	v7 =	vld [tilespmem:s28+$0xF0]  }
0x29e: {  	v8 =	vld [tilespmem:s17+$0xF0]  }
0x29f: {  	v5 =	vmul.f32 v10, v5;
	v10 =	vld [tilespmem:s26+$0x40]  }
0x2a0: {  	v4 =	vadd.f32 v6, v4;
	v6 =	vld [tilespmem:s26+$0xF0]  }
0x2a1: {  	v2 =	vadd.f32 v9, v2;
	v9 =	vld [tilespmem:s9+$0xFFFFFFF0]  }
0x2a2: {  	[tilespmem:s16+$0xFFFFFF40] =	vst v4;
	v4 =	vld [tilespmem:s10+$0x70];
	s10 =	smov.u32 s28  }
0x2a3: {  	v11 =	vld [tilespmem:s28+$0xFFFFFF50];
	[tilespmem:s16+$0xFFFFFFC0] =	vst v2;
	v2 =	vmul.f32 v8, v7  }
0x2a4: {  	v7 =	vld [tilespmem:s17+$0xFFFFFF50];
	v5 =	vadd.f32 v10, v5  }
0x2a5: {  	v8 =	vld [tilespmem:s28+$0xFFFFFFD0];
	v6 =	vadd.f32 v6, v2  }
0x2a6: {  	v10 =	vld [tilespmem:s17+$0xFFFFFFD0];
	[tilespmem:s16+$0x40] =	vst v5;
	v2 =	vmul.f32 v9, v3  }
0x2a7: {  	v5 =	vld [tilespmem:s28+$0x50];
	[tilespmem:s16+$0xF0] =	vst v6  }
0x2a8: {  	v6 =	vld [tilespmem:s17+$0x50]  }
0x2a9: {  	v7 =	vmul.f32 v7, v11;
	v11 =	vld [tilespmem:s26+$0xFFFFFF50]  }
0x2aa: {  	v12 =	vld [tilespmem:s26+$0xFFFFFFD0]  }
.Ltmp4:
0x2ab: {  	v10 =	vmul.f32 v10, v8;
	v8 =	vld [tilespmem:s26+$0x50];
	(pc) =	sbr.rel @p1 .LBB2_7-.Ltmp4, $4  }
0x2ac: {  	v3 =	vld [tilespmem:s9+$0x70];
	s9 =	smov.u32 s17  }
0x2ad: {  	v9 =	vmul.f32 v6, v5;
	v5 =	vld [tilespmem:s8+$0xFFFFFF70]  }
0x2ae: {  	v11 =	vadd.f32 v11, v7;
	v6 =	vld [tilespmem:s8+$0xFFFFFFF0]  }
0x2af: {  	s28 =	sadd.s32 $0x200, s28;
	v10 =	vadd.f32 v12, v10;
	v7 =	vld [tilespmem:s8+$0x70];
	s8 =	smov.u32 s26  }
0x2b0: {  	[tilespmem:s16+$0xFFFFFF50] =	vst v11  }
0x2b1: {  	v11 =	vld [tilespmem:s10+$0xFFFFFF60]  }
0x2b2: {  	v51 =	vld [tilespmem:s9+$0xFFFFFF60]  }
0x2b3: {  	[tilespmem:s16+$0xFFFFFFD0] =	vst v10;
	v13 =	vld [tilespmem:s8+$0xFFFFFF60]  }
0x2b4: {  	v8 =	vadd.f32 v8, v9;
	v10 =	vld [tilespmem:s10+$0xFFFFFFE0]  }
0x2b5: {  	v52 =	vld [tilespmem:s9+$0xFFFFFFE0]  }
0x2b6: {  	[tilespmem:s16+$0x50] =	vst v8;
	v15 =	vld [tilespmem:s8+$0xFFFFFFE0]  }
0x2b7: {  	v12 =	vld [tilespmem:s10+$0x60]  }
0x2b8: {  	v14 =	vld [tilespmem:s9+$0x60];
	v9 =	vmul.f32 v51, v11;
	_ =	sdelay $0x1  }
0x2b9: {  	v53 =	vld [tilespmem:s8+$0x60];
	v9 =	vadd.f32 v13, v9  }
0x2ba: {  	v8 =	vmul.f32 v52, v10  }
0x2bb: {  	[tilespmem:s16+$0xFFFFFF60] =	vst v9  }
0x2bc: {  	v54 =	vmul.f32 v14, v12;
	v8 =	vadd.f32 v15, v8;
	v9 =	vld [tilespmem:s10+$0xFFFFFF70]  }
0x2bd: {  	v55 =	vld [tilespmem:s9+$0xFFFFFF70]  }
0x2be: {  	v10 =	vadd.f32 v53, v54;
	[tilespmem:s16+$0xFFFFFFE0] =	vst v8;
	v60 =	vld [tilespmem:s8+$0xFFFFFF70]  }
0x2bf: {  	v56 =	vld [tilespmem:s10+$0xFFFFFFF0]  }
0x2c0: {  	[tilespmem:s16+$0x60] =	vst v10;
	v57 =	vld [tilespmem:s9+$0xFFFFFFF0]  }
0x2c1: {  	v58 =	vld [tilespmem:s10+$0x70]  }
0x2c2: {  	v59 =	vld [tilespmem:s9+$0x70]  }
0x2c3: {  	v61 =	vld [tilespmem:s8+$0xFFFFFFF0]  }
0x2c4: {  	v3 =	vmul.f32 v3, v4;
	v1 =	vadd.f32 v5, v1;
	v62 =	vld [tilespmem:s8+$0x70]  }
0x2c5: {  	v2 =	vadd.f32 v6, v2;
	v63 =	vmul.f32 v55, v9  }
0x2c6: {  	[tilespmem:s15+$0xFFFFFF70] =	vst v1;
	v1 =	vadd.f32 v7, v3;
	v3 =	vmul.f32 v57, v56  }
0x2c7: {  	[tilespmem:s15+$0xFFFFFFF0] =	vst v2;
	v2 =	vmul.f32 v59, v58;
	v5 =	vadd.f32 v60, v63  }
.Ltmp5:
0x2c8: {  	[tilespmem:s15+$0x70] =	vst v1;
	s8 =	sor.u32 $0x10000, s14;
	v1 =	vadd.f32 v61, v3;
	(pc) =	sbr.rel @p2 .LBB2_10-.Ltmp5, $4  }
0x2c9: {  	s28 =	sor.u32 s7, s8;
	[tilespmem:s16+$0xFFFFFF70] =	vst v5;
	v2 =	vadd.f32 v62, v2  }
0x2ca: {  	s9 =	sshrl.u32 s28, $0x3;
	[tilespmem:s16+$0xFFFFFFF0] =	vst v1  }
0x2cb: {  	s9 =	sadd.s32 s2, s9;
	[tilespmem:s16+$0x70] =	vst v2  }
0x2cc: {  	[hbm4b:s9+s18] =	stream.strided.scatter [tilespmem:s22], [sflag:$0x4], $0x1000, s19, s18, $0x38;
	[tilespmem:$0x1C000] =	vst v63  }
0x2cd: {  	s8 =	sadd.s32 s13, s8  }
0x2ce: {  	s8 =	sshrl.u32 s8, $0x3  }
0x2cf: {  	s9 =	simm.s32 $0x15000;
	s8 =	sadd.s32 s1, s8  }
0x2d0: {  	[tilespmem:s9], [sflag:$0x2] =	stream.strided.gather [hbm4b:s8+s18], $0x1000, s19, s18, $0x38;
	[tilespmem:$0x1C000] =	vst v63  }
.Ltmp6:
0x2d1: {  	s26 =	sshrl.u32 s12, $0x2;
	(pc) =	sbr.rel .LBB2_4-.Ltmp6, $4  }
0x2d2: {  	s28 =	simm.s32 $0x19000;
	s8 =	sadd.s32 $0x2060, s26  }
0x2d3: {  	[tilespmem:s28], [sflag:$0x6] =	stream.indirect.gather [spmem:s3], $0x80, s8, s21, $0xb8;
	[tilespmem:$0x1C000] =	vst v63  }
0x2d4: {  	s11 =	sadd.s32 $0x1, s11  }
0x2d5: {  	[tilespmem:s29], [sflag:$0x8] =	stream.indirect.gather [spmem:s4], $0x80, s8, s21, $0xb8;
	[tilespmem:$0x1C000] =	vst v63  }
.LBB2_11:
0x2d6: {  	_ =	sfence.sel $0x180000  }
0x2d7: {  	[bflag:$0x0] =	sbarrier.arrive $0xFFFF  }
0x2d8: {  	_ =	strace $0x90000047  }
0x2d9: {  	[bflag:$0x2] =	sbarrier.arrive $0xFFFF  }
0x2da: {  	s0 =	rddreg [dreg:$0x5]  }
0x2db: {  	s0 =	sadd.s32 @!p0 $0x100000, s0  }
0x2dc: {  	[sflag:s0] =	ssyncadd.tile.s32 @!p0 $0x1;
	_ =	shalt  }
.Lfunc_end2:
_tile_overlayer_lowered:
.L_overlay_start_2:
0x2dd: {  	(tag) =	ssettag $0x2  }
0x2de: {  	s0 =	rddreg [dreg:$0x0];
	s2 =	stileid.u32  }
0x2df: {  	s1 =	rddreg [dreg:$0x1];
	p0 =	sne.s32 s2, $0x0  }
0x2e0: {  	s3 =	rddreg [dreg:$0x2];
	[bflag:$0x3] =	sbarrier.arrive $0xFFFF;
	s2 =	simm.s32 @!p0 $0x1C09  }
0x2e1: {  	[timem:s3], [sflag:s2] =	dma.local @!p0 [hbm:s0], s1  }
0x2e2: {  	s0 =	simm.s32 @!p0 $0x9  }
0x2e3: {  	_ =	swait.ge @!p0 [sflag:s0], s1  }
0x2e4: {  	s1 =	ssub.s32 @!p0 $0x0, s1;
	[sflag:s0] =	ssyncset.done @!p0 $0x0  }
0x2e5: {  	[sflag:s0] =	ssyncadd.s32 @!p0 s1  }
0x2e6: {  	[bflag:$0x3] =	sbarrier.arrive $0xFFFF  }
0x2e7: {  	_ =	shalt  }

</sc_bundles>
